<compile_context>
chip_gen: v7x
topology: tpu7x:2x2x1
jax: 0.10.2.dev20260603
libtpu: 0.0.44.dev20260713+nightly
codegen_flags: <defaults>
</compile_context>

<pallas_src>
import jax
import jax.numpy as jnp
from jax import lax
from jax.experimental import pallas as pl
from jax.experimental.pallas import tpu as pltpu
from jax.experimental.pallas import tpu_sc as plsc

N = 10000
E = 320000
FH = 80
F2 = 48

NC = 2
NS = 16
NW = NC * NS
N_PAD = 10112
STRIPE = N_PAD // NS

C1 = 56
PH1 = 179
CPW1 = 2 * PH1
E1 = NS * CPW1 * C1

C2 = 112
CPW2 = 91
E2 = NW * CPW2 * C2


def _pipeline(n, feat_sh, acc_sh, src_v, dst_v, rows_a, rows_b,
              sem_ga, sem_gb, sem_sa, sem_sb):

    def gather_start(c, buf, sem):
        pltpu.async_copy(feat_sh.at[src_v.at[c]], buf, sem)

    def gather_wait(c, buf, sem):
        pltpu.make_async_copy(feat_sh.at[src_v.at[c]], buf, sem).wait()

    def scatter_start(c, buf, sem):
        pltpu.async_copy(buf, acc_sh.at[dst_v.at[c]], sem, add=True)

    def scatter_wait(c, buf, sem):
        pltpu.make_async_copy(buf, acc_sh.at[dst_v.at[c]], sem).wait()

    gather_start(0, rows_a, sem_ga)
    gather_start(1, rows_b, sem_gb)

    @pl.loop(0, n // 2)
    def _(p):
        c = 2 * p
        gather_wait(c, rows_a, sem_ga)
        scatter_start(c, rows_a, sem_sa)
        gather_wait(c + 1, rows_b, sem_gb)
        scatter_start(c + 1, rows_b, sem_sb)
        scatter_wait(c, rows_a, sem_sa)
        gather_start(c + 2, rows_a, sem_ga)
        scatter_wait(c + 1, rows_b, sem_sb)

        @pl.when(c + 3 < n)
        def _():
            gather_start(c + 3, rows_b, sem_gb)

    gather_wait(n - 1, rows_a, sem_ga)
    pltpu.sync_copy(rows_a, acc_sh.at[dst_v.at[n - 1]], add=True)


def _mesh():
    return plsc.VectorSubcoreMesh(core_axis_name="c", subcore_axis_name="s")


def _layer1_seg_sum():
    out_type = jax.ShapeDtypeStruct((NC, N_PAD, FH), jnp.float32)
    scratch = [
        pltpu.VMEM((PH1, C1), jnp.int32),
        pltpu.VMEM((PH1, C1), jnp.int32),
        pltpu.VMEM((C1, FH), jnp.float32),
        pltpu.VMEM((C1, FH), jnp.float32),
        pltpu.VMEM_SHARED((N_PAD, FH), jnp.float32),
        pltpu.VMEM_SHARED((N_PAD, FH), jnp.float32),
        pltpu.SemaphoreType.DMA,
        pltpu.SemaphoreType.DMA,
        pltpu.SemaphoreType.DMA,
        pltpu.SemaphoreType.DMA,
    ]

    def body(xh_hbm, src_hbm, dst_hbm, zeros_hbm, sum_hbm,
             src_v, dst_v, rows_a, rows_b, feat_sh, acc_sh,
             sem_ga, sem_gb, sem_sa, sem_sb):
        cid = lax.axis_index("c")
        sid = lax.axis_index("s")

        base_r = sid * STRIPE
        pltpu.sync_copy(zeros_hbm, acc_sh.at[pl.ds(base_r, STRIPE)])
        pltpu.sync_copy(xh_hbm.at[cid].at[pl.ds(base_r, STRIPE)],
                        feat_sh.at[pl.ds(base_r, STRIPE)])

        for ph in range(2):
            pltpu.sync_copy(src_hbm.at[sid, ph], src_v)
            pltpu.sync_copy(dst_hbm.at[sid, ph], dst_v)
            if ph == 0:
                plsc.subcore_barrier()
            _pipeline(PH1, feat_sh, acc_sh, src_v, dst_v, rows_a, rows_b,
                      sem_ga, sem_gb, sem_sa, sem_sb)

        plsc.subcore_barrier()
        pltpu.sync_copy(acc_sh.at[pl.ds(base_r, STRIPE)],
                        sum_hbm.at[cid].at[pl.ds(base_r, STRIPE)])

    return pl.kernel(
        body, out_type=out_type, mesh=_mesh(), scratch_types=scratch,
        compiler_params=pltpu.CompilerParams(use_tc_tiling_on_sc=False))


def _layer2_seg_sum():
    out_type = jax.ShapeDtypeStruct((NC, N_PAD, F2), jnp.float32)
    scratch = [
        pltpu.VMEM((CPW2, C2), jnp.int32),
        pltpu.VMEM((CPW2, C2), jnp.int32),
        pltpu.VMEM((C2, F2), jnp.float32),
        pltpu.VMEM((C2, F2), jnp.float32),
        pltpu.VMEM_SHARED((N_PAD, F2), jnp.float32),
        pltpu.VMEM_SHARED((N_PAD, F2), jnp.float32),
        pltpu.SemaphoreType.DMA,
        pltpu.SemaphoreType.DMA,
        pltpu.SemaphoreType.DMA,
        pltpu.SemaphoreType.DMA,
    ]

    def body(feat_hbm, src_hbm, dst_hbm, zeros_hbm, sum_hbm,
             src_v, dst_v, rows_a, rows_b, feat_sh, acc_sh,
             sem_ga, sem_gb, sem_sa, sem_sb):
        cid = lax.axis_index("c")
        sid = lax.axis_index("s")
        wid = cid * NS + sid

        base_r = sid * STRIPE
        pltpu.sync_copy(zeros_hbm, acc_sh.at[pl.ds(base_r, STRIPE)])
        pltpu.sync_copy(feat_hbm.at[pl.ds(base_r, STRIPE)],
                        feat_sh.at[pl.ds(base_r, STRIPE)])
        pltpu.sync_copy(src_hbm.at[wid], src_v)
        pltpu.sync_copy(dst_hbm.at[wid], dst_v)
        plsc.subcore_barrier()

        _pipeline(CPW2, feat_sh, acc_sh, src_v, dst_v, rows_a, rows_b,
                  sem_ga, sem_gb, sem_sa, sem_sb)

        plsc.subcore_barrier()
        pltpu.sync_copy(acc_sh.at[pl.ds(base_r, STRIPE)],
                        sum_hbm.at[cid].at[pl.ds(base_r, STRIPE)])

    return pl.kernel(
        body, out_type=out_type, mesh=_mesh(), scratch_types=scratch,
        compiler_params=pltpu.CompilerParams(use_tc_tiling_on_sc=False))


_seg_sum_l1 = _layer1_seg_sum()
_seg_sum_l2 = _layer2_seg_sum()

_BM = 1000


def _layer1_body(p_ref, w1_ref, b1_ref, w2_ref, z_ref, r_ref):
    feats = jnp.concatenate([p_ref[0, :, :64], p_ref[1, :, :64]], axis=1)
    deg = p_ref[0, :, 64:65]
    recip = 1.0 / jnp.maximum(deg, 1.0)
    mean = feats * recip
    h = jnp.dot(mean, w1_ref[...], preferred_element_type=jnp.float32)
    h = jnp.maximum(h + b1_ref[...][None, :], 0.0)
    z_ref[...] = jnp.dot(h, w2_ref[...], preferred_element_type=jnp.float32)
    r_ref[...] = jnp.broadcast_to(recip, (r_ref.shape[0], 8))


def _layer2_body(p_ref, r_ref, b2_ref, o_ref):
    msum = p_ref[0] + p_ref[1]
    mean = msum * r_ref[:, 0:1]
    o_ref[...] = mean[:, :40] + b2_ref[...][None, :]


def kernel(x, edge_index, W1, b1, W2, b2):
    src = edge_index[0].astype(jnp.int32)
    dst = edge_index[1].astype(jnp.int32)
    x = x.astype(jnp.float32)

    xp = jnp.zeros((N_PAD, 128), jnp.float32).at[:N].set(x)
    ones = jnp.ones((N_PAD, 16), jnp.float32)
    xh = jnp.stack([
        jnp.concatenate([xp[:, :64], ones], axis=1),
        jnp.concatenate([xp[:, 64:128], ones], axis=1),
    ])

    pad1 = E1 - E
    pad2 = E2 - E
    scr = N + jnp.arange(max(pad1, pad2), dtype=jnp.int32) % (N_PAD - N)
    src4 = jnp.concatenate(
        [src, jnp.zeros((pad1,), jnp.int32)]).reshape(NS, 2, PH1, C1)
    dst4 = jnp.concatenate([dst, scr[:pad1]]).reshape(NS, 2, PH1, C1)

    msum = _seg_sum_l1(xh, src4, dst4, jnp.zeros((STRIPE, FH), jnp.float32))

    w2p = jnp.zeros((128, F2), jnp.float32).at[:, :40].set(W2)
    bmb = N_PAD // 16
    z, recip = pl.pallas_call(
        _layer1_body,
        grid=(16,),
        in_specs=[
            pl.BlockSpec((NC, bmb, FH), lambda i: (0, i, 0)),
            pl.BlockSpec((128, 128), lambda i: (0, 0)),
            pl.BlockSpec((128,), lambda i: (0,)),
            pl.BlockSpec((128, F2), lambda i: (0, 0)),
        ],
        out_specs=[
            pl.BlockSpec((bmb, F2), lambda i: (i, 0)),
            pl.BlockSpec((bmb, 8), lambda i: (i, 0)),
        ],
        out_shape=[
            jax.ShapeDtypeStruct((N_PAD, F2), jnp.float32),
            jax.ShapeDtypeStruct((N_PAD, 8), jnp.float32),
        ],
    )(msum, W1, b1, w2p)

    src3 = jnp.concatenate(
        [src, jnp.zeros((pad2,), jnp.int32)]).reshape(NW, CPW2, C2)
    dst3 = jnp.concatenate([dst, scr[:pad2]]).reshape(NW, CPW2, C2)

    msum2 = _seg_sum_l2(z, src3, dst3, jnp.zeros((STRIPE, F2), jnp.float32))

    out = pl.pallas_call(
        _layer2_body,
        grid=(N // _BM,),
        in_specs=[
            pl.BlockSpec((NC, _BM, F2), lambda i: (0, i, 0)),
            pl.BlockSpec((_BM, 8), lambda i: (i, 0)),
            pl.BlockSpec((40,), lambda i: (0,)),
        ],
        out_specs=pl.BlockSpec((_BM, 40), lambda i: (i, 0)),
        out_shape=jax.ShapeDtypeStruct((N, 40), jnp.float32),
    )(msum2, recip, b2)
    return out

# --- scband reference (transcript-rebuilt; emitter-appended) ---
"""Pipeline reference for scband-gcn-51049981281479 (READ-ONLY COPY).

The authoritative reference and input builder live on the scoring server;
editing this copy changes nothing except your own understanding.
"""

import jax, jax.numpy as jnp
import numpy as np

N_NODES = 10000
N_EDGES = 320000
IN_FEATS = 128
HIDDEN = 128
NUM_CLASSES = 40


def setup_inputs(seed: int = 0) -> dict:
    key = jax.random.key(seed)
    k1, k2, k3, k4, k5, k6 = jax.random.split(key, 6)
    x = jax.random.normal(k1, (N_NODES, IN_FEATS), dtype=jnp.float32)
    edge_index = jax.random.randint(k2, (2, N_EDGES), 0, N_NODES, dtype=jnp.int64)
    # Linear params (stored as [in, out] for y = h @ W + b)
    W1 = jax.random.normal(k3, (IN_FEATS, HIDDEN), dtype=jnp.float32) * (1.0 / np.sqrt(IN_FEATS))
    b1 = jax.random.normal(k4, (HIDDEN,), dtype=jnp.float32) * 0.01
    W2 = jax.random.normal(k5, (HIDDEN, NUM_CLASSES), dtype=jnp.float32) * (1.0 / np.sqrt(HIDDEN))
    b2 = jax.random.normal(k6, (NUM_CLASSES,), dtype=jnp.float32) * 0.01
    return {"x": x, "edge_index": edge_index, "W1": W1, "b1": b1, "W2": W2, "b2": b2}


def _mean_aggregate(feat, src, dst, num_nodes):
    # DGL: update_all(copy_u('h','m'), mean('m','h'))
    # message = src feature; reduce = mean over incoming edges per dst node.
    msg_sum = jax.ops.segment_sum(feat[src], dst, num_segments=num_nodes)
    deg = jax.ops.segment_sum(jnp.ones((src.shape[0],), dtype=feat.dtype), dst, num_segments=num_nodes)
    return msg_sum / jnp.maximum(deg, 1.0)[:, None]


def reference(x, edge_index, W1, b1, W2, b2):
    src = edge_index[0]
    dst = edge_index[1]
    n = x.shape[0]
    # GCNLayer 1: mean-aggregate then linear
    h = _mean_aggregate(x, src, dst, n)
    h = h @ W1 + b1
    h = jax.nn.relu(h)
    # GCNLayer 2
    h2 = _mean_aggregate(h, src, dst, n)
    out = h2 @ W2 + b2
    return out

if __name__ == "__main__":
    import jax
    _d = setup_inputs()
    print(jax.jit(kernel)(*tuple(_d.values())))

</pallas_src>

<mosaic_0001>
#map = affine_map<(d0, d1) -> (0, 0)>
#map1 = affine_map<(d0, d1) -> (0, 0, 0)>
module attributes {stable_mosaic.version = 14 : i64} {
  func.func @body(%arg0: i32, %arg1: i32, %arg2: memref<10112x48xf32, #tpu.memory_space<hbm>>, %arg3: memref<32x91x112xi32, #tpu.memory_space<hbm>>, %arg4: memref<32x91x112xi32, #tpu.memory_space<hbm>>, %arg5: memref<632x48xf32, #tpu.memory_space<hbm>>, %arg6: memref<2x10112x48xf32, #tpu.memory_space<hbm>>, %arg7: memref<91x112xi32, #tpu.memory_space<vmem>>, %arg8: memref<91x112xi32, #tpu.memory_space<vmem>>, %arg9: memref<112x48xf32, #tpu.memory_space<vmem>>, %arg10: memref<112x48xf32, #tpu.memory_space<vmem>>, %arg11: memref<10112x48xf32, #tpu.memory_space<vmem_shared>>, %arg12: memref<10112x48xf32, #tpu.memory_space<vmem_shared>>, %arg13: memref<!tpu.dma_semaphore, #tpu.memory_space<semaphore_mem>>, %arg14: memref<!tpu.dma_semaphore, #tpu.memory_space<semaphore_mem>>, %arg15: memref<!tpu.dma_semaphore, #tpu.memory_space<semaphore_mem>>, %arg16: memref<!tpu.dma_semaphore, #tpu.memory_space<semaphore_mem>>) attributes {dimension_semantics = [#tpu.dimension_semantics<core_parallel>, #tpu.dimension_semantics<subcore_parallel>], iteration_bounds = array<i64: 2, 16>, scalar_prefetch = 0 : i64, scratch_operands = 10 : i64, tpu.core_type = #tpu.core_type<sc_vector_subcore>, window_params = [{transform_indices = #map}, {transform_indices = #map1}, {transform_indices = #map1}, {transform_indices = #map}, {transform_indices = #map1}]} {
    %mul3A = arith.constant 16 : i32
    %mul3A_0 = arith.muli %arg0, %mul3A : i32
    %add3A = arith.addi %mul3A_0, %arg1 : i32
    %mul3A_1 = arith.constant 632 : i32
    %mul3A_2 = arith.muli %arg1, %mul3A_1 : i32
    "tpu.region"() ({
      %run_scoped3A_27 = tpu.sem_alloc : memref<!tpu.dma_semaphore, #tpu.memory_space<semaphore_mem>>
      %dma_start3A_28 = arith.constant 0 : i32
      %dma_start3A_29 = tpu.memref_slice %arg12[%mul3A_2, %dma_start3A_28] : memref<10112x48xf32, #tpu.memory_space<vmem_shared>> -> memref<632x48xf32, #tpu.memory_space<vmem_shared>>
      tpu.enqueue_dma source(%arg5 : memref<632x48xf32, #tpu.memory_space<hbm>>) target(%dma_start3A_29 : memref<632x48xf32, #tpu.memory_space<vmem_shared>>) target_semaphore(%run_scoped3A_27 : memref<!tpu.dma_semaphore, #tpu.memory_space<semaphore_mem>>)
      %dma_wait3A_30 = arith.constant 0 : i32
      %dma_wait3A_31 = tpu.memref_slice %arg12[%mul3A_2, %dma_wait3A_30] : memref<10112x48xf32, #tpu.memory_space<vmem_shared>> -> memref<632x48xf32, #tpu.memory_space<vmem_shared>>
      tpu.wait_dma2 semaphore(%run_scoped3A_27 : memref<!tpu.dma_semaphore, #tpu.memory_space<semaphore_mem>>) src(%arg5 : memref<632x48xf32, #tpu.memory_space<hbm>>) dst(%dma_wait3A_31 : memref<632x48xf32, #tpu.memory_space<vmem_shared>>)
      tpu.yield
    }) : () -> ()
    "tpu.region"() ({
      %run_scoped3A_27 = tpu.sem_alloc : memref<!tpu.dma_semaphore, #tpu.memory_space<semaphore_mem>>
      %dma_start3A_28 = arith.constant 0 : i32
      %dma_start3A_29 = tpu.memref_slice %arg11[%mul3A_2, %dma_start3A_28] : memref<10112x48xf32, #tpu.memory_space<vmem_shared>> -> memref<632x48xf32, #tpu.memory_space<vmem_shared>>
      %dma_start3A_30 = arith.constant 0 : i32
      %dma_start3A_31 = tpu.memref_slice %arg2[%mul3A_2, %dma_start3A_30] : memref<10112x48xf32, #tpu.memory_space<hbm>> -> memref<632x48xf32, #tpu.memory_space<hbm>>
      tpu.enqueue_dma source(%dma_start3A_31 : memref<632x48xf32, #tpu.memory_space<hbm>>) target(%dma_start3A_29 : memref<632x48xf32, #tpu.memory_space<vmem_shared>>) target_semaphore(%run_scoped3A_27 : memref<!tpu.dma_semaphore, #tpu.memory_space<semaphore_mem>>)
      %dma_wait3A_32 = arith.constant 0 : i32
      %dma_wait3A_33 = tpu.memref_slice %arg11[%mul3A_2, %dma_wait3A_32] : memref<10112x48xf32, #tpu.memory_space<vmem_shared>> -> memref<632x48xf32, #tpu.memory_space<vmem_shared>>
      %dma_wait3A_34 = arith.constant 0 : i32
      %dma_wait3A_35 = tpu.memref_slice %arg2[%mul3A_2, %dma_wait3A_34] : memref<10112x48xf32, #tpu.memory_space<hbm>> -> memref<632x48xf32, #tpu.memory_space<hbm>>
      tpu.wait_dma2 semaphore(%run_scoped3A_27 : memref<!tpu.dma_semaphore, #tpu.memory_space<semaphore_mem>>) src(%dma_wait3A_35 : memref<632x48xf32, #tpu.memory_space<hbm>>) dst(%dma_wait3A_33 : memref<632x48xf32, #tpu.memory_space<vmem_shared>>)
      tpu.yield
    }) : () -> ()
    "tpu.region"() ({
      %run_scoped3A_27 = tpu.sem_alloc : memref<!tpu.dma_semaphore, #tpu.memory_space<semaphore_mem>>
      %dma_start3A_28 = arith.constant 0 : i32
      %dma_start3A_29 = arith.constant 0 : i32
      %dma_start3A_30 = tpu.memref_slice %arg3[%add3A, %dma_start3A_28, %dma_start3A_29] : memref<32x91x112xi32, #tpu.memory_space<hbm>> -> memref<1x91x112xi32, #tpu.memory_space<hbm>>
      %dma_start3A_31 = tpu.memref_squeeze %dma_start3A_30 : memref<1x91x112xi32, #tpu.memory_space<hbm>> -> memref<91x112xi32, #tpu.memory_space<hbm>>
      %dma_start3A_32 = arith.constant 0 : i32
      %dma_start3A_33 = arith.constant 0 : i32
      %dma_start3A_34 = tpu.memref_slice %arg3[%add3A, %dma_start3A_32, %dma_start3A_33] : memref<32x91x112xi32, #tpu.memory_space<hbm>> -> memref<1x91x112xi32, #tpu.memory_space<hbm>>
      %dma_start3A_35 = tpu.memref_squeeze %dma_start3A_34 : memref<1x91x112xi32, #tpu.memory_space<hbm>> -> memref<91x112xi32, #tpu.memory_space<hbm>>
      tpu.enqueue_dma source(%dma_start3A_35 : memref<91x112xi32, #tpu.memory_space<hbm>>) target(%arg7 : memref<91x112xi32, #tpu.memory_space<vmem>>) target_semaphore(%run_scoped3A_27 : memref<!tpu.dma_semaphore, #tpu.memory_space<semaphore_mem>>)
      %dma_wait3A_36 = arith.constant 0 : i32
      %dma_wait3A_37 = arith.constant 0 : i32
      %dma_wait3A_38 = tpu.memref_slice %arg3[%add3A, %dma_wait3A_36, %dma_wait3A_37] : memref<32x91x112xi32, #tpu.memory_space<hbm>> -> memref<1x91x112xi32, #tpu.memory_space<hbm>>
      %dma_wait3A_39 = tpu.memref_squeeze %dma_wait3A_38 : memref<1x91x112xi32, #tpu.memory_space<hbm>> -> memref<91x112xi32, #tpu.memory_space<hbm>>
      %dma_wait3A_40 = arith.constant 0 : i32
      %dma_wait3A_41 = arith.constant 0 : i32
      %dma_wait3A_42 = tpu.memref_slice %arg3[%add3A, %dma_wait3A_40, %dma_wait3A_41] : memref<32x91x112xi32, #tpu.memory_space<hbm>> -> memref<1x91x112xi32, #tpu.memory_space<hbm>>
      %dma_wait3A_43 = tpu.memref_squeeze %dma_wait3A_42 : memref<1x91x112xi32, #tpu.memory_space<hbm>> -> memref<91x112xi32, #tpu.memory_space<hbm>>
      tpu.wait_dma2 semaphore(%run_scoped3A_27 : memref<!tpu.dma_semaphore, #tpu.memory_space<semaphore_mem>>) src(%dma_wait3A_43 : memref<91x112xi32, #tpu.memory_space<hbm>>) dst(%arg7 : memref<91x112xi32, #tpu.memory_space<vmem>>)
      tpu.yield
    }) : () -> ()
    "tpu.region"() ({
      %run_scoped3A_27 = tpu.sem_alloc : memref<!tpu.dma_semaphore, #tpu.memory_space<semaphore_mem>>
      %dma_start3A_28 = arith.constant 0 : i32
      %dma_start3A_29 = arith.constant 0 : i32
      %dma_start3A_30 = tpu.memref_slice %arg4[%add3A, %dma_start3A_28, %dma_start3A_29] : memref<32x91x112xi32, #tpu.memory_space<hbm>> -> memref<1x91x112xi32, #tpu.memory_space<hbm>>
      %dma_start3A_31 = tpu.memref_squeeze %dma_start3A_30 : memref<1x91x112xi32, #tpu.memory_space<hbm>> -> memref<91x112xi32, #tpu.memory_space<hbm>>
      %dma_start3A_32 = arith.constant 0 : i32
      %dma_start3A_33 = arith.constant 0 : i32
      %dma_start3A_34 = tpu.memref_slice %arg4[%add3A, %dma_start3A_32, %dma_start3A_33] : memref<32x91x112xi32, #tpu.memory_space<hbm>> -> memref<1x91x112xi32, #tpu.memory_space<hbm>>
      %dma_start3A_35 = tpu.memref_squeeze %dma_start3A_34 : memref<1x91x112xi32, #tpu.memory_space<hbm>> -> memref<91x112xi32, #tpu.memory_space<hbm>>
      tpu.enqueue_dma source(%dma_start3A_35 : memref<91x112xi32, #tpu.memory_space<hbm>>) target(%arg8 : memref<91x112xi32, #tpu.memory_space<vmem>>) target_semaphore(%run_scoped3A_27 : memref<!tpu.dma_semaphore, #tpu.memory_space<semaphore_mem>>)
      %dma_wait3A_36 = arith.constant 0 : i32
      %dma_wait3A_37 = arith.constant 0 : i32
      %dma_wait3A_38 = tpu.memref_slice %arg4[%add3A, %dma_wait3A_36, %dma_wait3A_37] : memref<32x91x112xi32, #tpu.memory_space<hbm>> -> memref<1x91x112xi32, #tpu.memory_space<hbm>>
      %dma_wait3A_39 = tpu.memref_squeeze %dma_wait3A_38 : memref<1x91x112xi32, #tpu.memory_space<hbm>> -> memref<91x112xi32, #tpu.memory_space<hbm>>
      %dma_wait3A_40 = arith.constant 0 : i32
      %dma_wait3A_41 = arith.constant 0 : i32
      %dma_wait3A_42 = tpu.memref_slice %arg4[%add3A, %dma_wait3A_40, %dma_wait3A_41] : memref<32x91x112xi32, #tpu.memory_space<hbm>> -> memref<1x91x112xi32, #tpu.memory_space<hbm>>
      %dma_wait3A_43 = tpu.memref_squeeze %dma_wait3A_42 : memref<1x91x112xi32, #tpu.memory_space<hbm>> -> memref<91x112xi32, #tpu.memory_space<hbm>>
      tpu.wait_dma2 semaphore(%run_scoped3A_27 : memref<!tpu.dma_semaphore, #tpu.memory_space<semaphore_mem>>) src(%dma_wait3A_43 : memref<91x112xi32, #tpu.memory_space<hbm>>) dst(%arg8 : memref<91x112xi32, #tpu.memory_space<vmem>>)
      tpu.yield
    }) : () -> ()
    %barrier3A = arith.constant 0 : index
    tpu.barrier barrier_id(%barrier3A)
    %dma_start3A = arith.constant 0 : i32
    %dma_start3A_3 = arith.constant 0 : i32
    %dma_start3A_4 = tpu.memref_slice %arg7[%dma_start3A, %dma_start3A_3] : memref<91x112xi32, #tpu.memory_space<vmem>> -> memref<1x112xi32, #tpu.memory_space<vmem>>
    %dma_start3A_5 = tpu.memref_squeeze %dma_start3A_4 : memref<1x112xi32, #tpu.memory_space<vmem>> -> memref<112xi32, #tpu.memory_space<vmem>>
    %dma_start3A_6 = arith.constant 0 : i32
    %dma_start3A_7 = arith.constant 0 : i32
    %dma_start3A_8 = tpu.memref_slice %arg11[%dma_start3A_6, %dma_start3A_7] : memref<10112x48xf32, #tpu.memory_space<vmem_shared>> -> memref<10112x48xf32, #tpu.memory_space<vmem_shared>>
    tpu.enqueue_indirect_dma source(%dma_start3A_8 : memref<10112x48xf32, #tpu.memory_space<vmem_shared>>) target(%arg9 : memref<112x48xf32, #tpu.memory_space<vmem>>) offsets(%dma_start3A_5 : memref<112xi32, #tpu.memory_space<vmem>>) semaphore(%arg13 : memref<!tpu.dma_semaphore, #tpu.memory_space<semaphore_mem>>)
    %dma_start3A_9 = arith.constant 1 : i32
    %dma_start3A_10 = arith.constant 0 : i32
    %dma_start3A_11 = tpu.memref_slice %arg7[%dma_start3A_9, %dma_start3A_10] : memref<91x112xi32, #tpu.memory_space<vmem>> -> memref<1x112xi32, #tpu.memory_space<vmem>>
    %dma_start3A_12 = tpu.memref_squeeze %dma_start3A_11 : memref<1x112xi32, #tpu.memory_space<vmem>> -> memref<112xi32, #tpu.memory_space<vmem>>
    %dma_start3A_13 = arith.constant 0 : i32
    %dma_start3A_14 = arith.constant 0 : i32
    %dma_start3A_15 = tpu.memref_slice %arg11[%dma_start3A_13, %dma_start3A_14] : memref<10112x48xf32, #tpu.memory_space<vmem_shared>> -> memref<10112x48xf32, #tpu.memory_space<vmem_shared>>
    tpu.enqueue_indirect_dma source(%dma_start3A_15 : memref<10112x48xf32, #tpu.memory_space<vmem_shared>>) target(%arg10 : memref<112x48xf32, #tpu.memory_space<vmem>>) offsets(%dma_start3A_12 : memref<112xi32, #tpu.memory_space<vmem>>) semaphore(%arg14 : memref<!tpu.dma_semaphore, #tpu.memory_space<semaphore_mem>>)
    %scan3A = arith.constant 0 : i32
    %scan3A_16 = arith.constant 45 : i32
    %scan3A_17 = arith.addi %scan3A, %scan3A_16 : i32
    %scan3A_18 = arith.constant 1 : i32
    scf.for %scan3A_27 = %scan3A to %scan3A_17 step %scan3A_18  : i32 {
      %mul3A_28 = arith.constant 1 : i32
      %mul3A_29 = arith.muli %scan3A_27, %mul3A_28 : i32
      %add3A_30 = arith.constant 0 : i32
      %add3A_31 = arith.addi %add3A_30, %mul3A_29 : i32
      %mul3A_32 = arith.constant 2 : i32
      %mul3A_33 = arith.muli %mul3A_32, %add3A_31 : i32
      %dma_wait3A_34 = arith.constant 0 : i32
      %dma_wait3A_35 = tpu.memref_slice %arg7[%mul3A_33, %dma_wait3A_34] : memref<91x112xi32, #tpu.memory_space<vmem>> -> memref<1x112xi32, #tpu.memory_space<vmem>>
      %dma_wait3A_36 = tpu.memref_squeeze %dma_wait3A_35 : memref<1x112xi32, #tpu.memory_space<vmem>> -> memref<112xi32, #tpu.memory_space<vmem>>
      %dma_wait3A_37 = arith.constant 0 : i32
      %dma_wait3A_38 = arith.constant 0 : i32
      %dma_wait3A_39 = tpu.memref_slice %arg11[%dma_wait3A_37, %dma_wait3A_38] : memref<10112x48xf32, #tpu.memory_space<vmem_shared>> -> memref<10112x48xf32, #tpu.memory_space<vmem_shared>>
      tpu.wait_indirect_dma semaphore(%arg13 : memref<!tpu.dma_semaphore, #tpu.memory_space<semaphore_mem>>) src(%dma_wait3A_39 : memref<10112x48xf32, #tpu.memory_space<vmem_shared>>) dst(%arg9 : memref<112x48xf32, #tpu.memory_space<vmem>>)
      %dma_start3A_40 = arith.constant 0 : i32
      %dma_start3A_41 = tpu.memref_slice %arg8[%mul3A_33, %dma_start3A_40] : memref<91x112xi32, #tpu.memory_space<vmem>> -> memref<1x112xi32, #tpu.memory_space<vmem>>
      %dma_start3A_42 = tpu.memref_squeeze %dma_start3A_41 : memref<1x112xi32, #tpu.memory_space<vmem>> -> memref<112xi32, #tpu.memory_space<vmem>>
      %dma_start3A_43 = arith.constant 0 : i32
      %dma_start3A_44 = arith.constant 0 : i32
      %dma_start3A_45 = tpu.memref_slice %arg12[%dma_start3A_43, %dma_start3A_44] : memref<10112x48xf32, #tpu.memory_space<vmem_shared>> -> memref<10112x48xf32, #tpu.memory_space<vmem_shared>>
      tpu.enqueue_indirect_dma source(%arg9 : memref<112x48xf32, #tpu.memory_space<vmem>>) target(%dma_start3A_45 : memref<10112x48xf32, #tpu.memory_space<vmem_shared>>) offsets(%dma_start3A_42 : memref<112xi32, #tpu.memory_space<vmem>>) semaphore(%arg15 : memref<!tpu.dma_semaphore, #tpu.memory_space<semaphore_mem>>) {add = true}
      %add3A_46 = arith.constant 1 : i32
      %add3A_47 = arith.addi %mul3A_33, %add3A_46 : i32
      %dma_wait3A_48 = arith.constant 0 : i32
      %dma_wait3A_49 = tpu.memref_slice %arg7[%add3A_47, %dma_wait3A_48] : memref<91x112xi32, #tpu.memory_space<vmem>> -> memref<1x112xi32, #tpu.memory_space<vmem>>
      %dma_wait3A_50 = tpu.memref_squeeze %dma_wait3A_49 : memref<1x112xi32, #tpu.memory_space<vmem>> -> memref<112xi32, #tpu.memory_space<vmem>>
      %dma_wait3A_51 = arith.constant 0 : i32
      %dma_wait3A_52 = arith.constant 0 : i32
      %dma_wait3A_53 = tpu.memref_slice %arg11[%dma_wait3A_51, %dma_wait3A_52] : memref<10112x48xf32, #tpu.memory_space<vmem_shared>> -> memref<10112x48xf32, #tpu.memory_space<vmem_shared>>
      tpu.wait_indirect_dma semaphore(%arg14 : memref<!tpu.dma_semaphore, #tpu.memory_space<semaphore_mem>>) src(%dma_wait3A_53 : memref<10112x48xf32, #tpu.memory_space<vmem_shared>>) dst(%arg10 : memref<112x48xf32, #tpu.memory_space<vmem>>)
      %add3A_54 = arith.constant 1 : i32
      %add3A_55 = arith.addi %mul3A_33, %add3A_54 : i32
      %dma_start3A_56 = arith.constant 0 : i32
      %dma_start3A_57 = tpu.memref_slice %arg8[%add3A_55, %dma_start3A_56] : memref<91x112xi32, #tpu.memory_space<vmem>> -> memref<1x112xi32, #tpu.memory_space<vmem>>
      %dma_start3A_58 = tpu.memref_squeeze %dma_start3A_57 : memref<1x112xi32, #tpu.memory_space<vmem>> -> memref<112xi32, #tpu.memory_space<vmem>>
      %dma_start3A_59 = arith.constant 0 : i32
      %dma_start3A_60 = arith.constant 0 : i32
      %dma_start3A_61 = tpu.memref_slice %arg12[%dma_start3A_59, %dma_start3A_60] : memref<10112x48xf32, #tpu.memory_space<vmem_shared>> -> memref<10112x48xf32, #tpu.memory_space<vmem_shared>>
      tpu.enqueue_indirect_dma source(%arg10 : memref<112x48xf32, #tpu.memory_space<vmem>>) target(%dma_start3A_61 : memref<10112x48xf32, #tpu.memory_space<vmem_shared>>) offsets(%dma_start3A_58 : memref<112xi32, #tpu.memory_space<vmem>>) semaphore(%arg16 : memref<!tpu.dma_semaphore, #tpu.memory_space<semaphore_mem>>) {add = true}
      %dma_wait3A_62 = arith.constant 0 : i32
      %dma_wait3A_63 = tpu.memref_slice %arg8[%mul3A_33, %dma_wait3A_62] : memref<91x112xi32, #tpu.memory_space<vmem>> -> memref<1x112xi32, #tpu.memory_space<vmem>>
      %dma_wait3A_64 = tpu.memref_squeeze %dma_wait3A_63 : memref<1x112xi32, #tpu.memory_space<vmem>> -> memref<112xi32, #tpu.memory_space<vmem>>
      %dma_wait3A_65 = arith.constant 0 : i32
      %dma_wait3A_66 = arith.constant 0 : i32
      %dma_wait3A_67 = tpu.memref_slice %arg12[%dma_wait3A_65, %dma_wait3A_66] : memref<10112x48xf32, #tpu.memory_space<vmem_shared>> -> memref<10112x48xf32, #tpu.memory_space<vmem_shared>>
      tpu.wait_indirect_dma semaphore(%arg15 : memref<!tpu.dma_semaphore, #tpu.memory_space<semaphore_mem>>) src(%arg9 : memref<112x48xf32, #tpu.memory_space<vmem>>) dst(%dma_wait3A_67 : memref<10112x48xf32, #tpu.memory_space<vmem_shared>>)
      %add3A_68 = arith.constant 2 : i32
      %add3A_69 = arith.addi %mul3A_33, %add3A_68 : i32
      %dma_start3A_70 = arith.constant 0 : i32
      %dma_start3A_71 = tpu.memref_slice %arg7[%add3A_69, %dma_start3A_70] : memref<91x112xi32, #tpu.memory_space<vmem>> -> memref<1x112xi32, #tpu.memory_space<vmem>>
      %dma_start3A_72 = tpu.memref_squeeze %dma_start3A_71 : memref<1x112xi32, #tpu.memory_space<vmem>> -> memref<112xi32, #tpu.memory_space<vmem>>
      %dma_start3A_73 = arith.constant 0 : i32
      %dma_start3A_74 = arith.constant 0 : i32
      %dma_start3A_75 = tpu.memref_slice %arg11[%dma_start3A_73, %dma_start3A_74] : memref<10112x48xf32, #tpu.memory_space<vmem_shared>> -> memref<10112x48xf32, #tpu.memory_space<vmem_shared>>
      tpu.enqueue_indirect_dma source(%dma_start3A_75 : memref<10112x48xf32, #tpu.memory_space<vmem_shared>>) target(%arg9 : memref<112x48xf32, #tpu.memory_space<vmem>>) offsets(%dma_start3A_72 : memref<112xi32, #tpu.memory_space<vmem>>) semaphore(%arg13 : memref<!tpu.dma_semaphore, #tpu.memory_space<semaphore_mem>>)
      %add3A_76 = arith.constant 1 : i32
      %add3A_77 = arith.addi %mul3A_33, %add3A_76 : i32
      %dma_wait3A_78 = arith.constant 0 : i32
      %dma_wait3A_79 = tpu.memref_slice %arg8[%add3A_77, %dma_wait3A_78] : memref<91x112xi32, #tpu.memory_space<vmem>> -> memref<1x112xi32, #tpu.memory_space<vmem>>
      %dma_wait3A_80 = tpu.memref_squeeze %dma_wait3A_79 : memref<1x112xi32, #tpu.memory_space<vmem>> -> memref<112xi32, #tpu.memory_space<vmem>>
      %dma_wait3A_81 = arith.constant 0 : i32
      %dma_wait3A_82 = arith.constant 0 : i32
      %dma_wait3A_83 = tpu.memref_slice %arg12[%dma_wait3A_81, %dma_wait3A_82] : memref<10112x48xf32, #tpu.memory_space<vmem_shared>> -> memref<10112x48xf32, #tpu.memory_space<vmem_shared>>
      tpu.wait_indirect_dma semaphore(%arg16 : memref<!tpu.dma_semaphore, #tpu.memory_space<semaphore_mem>>) src(%arg10 : memref<112x48xf32, #tpu.memory_space<vmem>>) dst(%dma_wait3A_83 : memref<10112x48xf32, #tpu.memory_space<vmem_shared>>)
      %add3A_84 = arith.constant 3 : i32
      %add3A_85 = arith.addi %mul3A_33, %add3A_84 : i32
      %lt3A = arith.constant 91 : i32
      %lt3A_86 = arith.cmpi slt, %add3A_85, %lt3A : i32
      %convert_element_type3A = arith.extui %lt3A_86 : i1 to i32
      %cond3A = arith.constant 0 : i32
      %cond3A_87 = arith.cmpi ne, %convert_element_type3A, %cond3A : i32
      scf.if %cond3A_87 {
        %add3A_88 = arith.constant 3 : i32
        %add3A_89 = arith.addi %mul3A_33, %add3A_88 : i32
        %dma_start3A_90 = arith.constant 0 : i32
        %dma_start3A_91 = tpu.memref_slice %arg7[%add3A_89, %dma_start3A_90] : memref<91x112xi32, #tpu.memory_space<vmem>> -> memref<1x112xi32, #tpu.memory_space<vmem>>
        %dma_start3A_92 = tpu.memref_squeeze %dma_start3A_91 : memref<1x112xi32, #tpu.memory_space<vmem>> -> memref<112xi32, #tpu.memory_space<vmem>>
        %dma_start3A_93 = arith.constant 0 : i32
        %dma_start3A_94 = arith.constant 0 : i32
        %dma_start3A_95 = tpu.memref_slice %arg11[%dma_start3A_93, %dma_start3A_94] : memref<10112x48xf32, #tpu.memory_space<vmem_shared>> -> memref<10112x48xf32, #tpu.memory_space<vmem_shared>>
        tpu.enqueue_indirect_dma source(%dma_start3A_95 : memref<10112x48xf32, #tpu.memory_space<vmem_shared>>) target(%arg10 : memref<112x48xf32, #tpu.memory_space<vmem>>) offsets(%dma_start3A_92 : memref<112xi32, #tpu.memory_space<vmem>>) semaphore(%arg14 : memref<!tpu.dma_semaphore, #tpu.memory_space<semaphore_mem>>)
      } else {
      }
    }
    %scan3A_19 = arith.constant 45 : i32
    %dma_wait3A = arith.constant 90 : i32
    %dma_wait3A_20 = arith.constant 0 : i32
    %dma_wait3A_21 = tpu.memref_slice %arg7[%dma_wait3A, %dma_wait3A_20] : memref<91x112xi32, #tpu.memory_space<vmem>> -> memref<1x112xi32, #tpu.memory_space<vmem>>
    %dma_wait3A_22 = tpu.memref_squeeze %dma_wait3A_21 : memref<1x112xi32, #tpu.memory_space<vmem>> -> memref<112xi32, #tpu.memory_space<vmem>>
    %dma_wait3A_23 = arith.constant 0 : i32
    %dma_wait3A_24 = arith.constant 0 : i32
    %dma_wait3A_25 = tpu.memref_slice %arg11[%dma_wait3A_23, %dma_wait3A_24] : memref<10112x48xf32, #tpu.memory_space<vmem_shared>> -> memref<10112x48xf32, #tpu.memory_space<vmem_shared>>
    tpu.wait_indirect_dma semaphore(%arg13 : memref<!tpu.dma_semaphore, #tpu.memory_space<semaphore_mem>>) src(%dma_wait3A_25 : memref<10112x48xf32, #tpu.memory_space<vmem_shared>>) dst(%arg9 : memref<112x48xf32, #tpu.memory_space<vmem>>)
    %run_scoped3A = arith.constant 90 : i32
    "tpu.region"() ({
      %run_scoped3A_27 = tpu.sem_alloc : memref<!tpu.dma_semaphore, #tpu.memory_space<semaphore_mem>>
      %dma_start3A_28 = arith.constant 0 : i32
      %dma_start3A_29 = tpu.memref_slice %arg8[%run_scoped3A, %dma_start3A_28] : memref<91x112xi32, #tpu.memory_space<vmem>> -> memref<1x112xi32, #tpu.memory_space<vmem>>
      %dma_start3A_30 = tpu.memref_squeeze %dma_start3A_29 : memref<1x112xi32, #tpu.memory_space<vmem>> -> memref<112xi32, #tpu.memory_space<vmem>>
      %dma_start3A_31 = arith.constant 0 : i32
      %dma_start3A_32 = arith.constant 0 : i32
      %dma_start3A_33 = tpu.memref_slice %arg12[%dma_start3A_31, %dma_start3A_32] : memref<10112x48xf32, #tpu.memory_space<vmem_shared>> -> memref<10112x48xf32, #tpu.memory_space<vmem_shared>>
      tpu.enqueue_indirect_dma source(%arg9 : memref<112x48xf32, #tpu.memory_space<vmem>>) target(%dma_start3A_33 : memref<10112x48xf32, #tpu.memory_space<vmem_shared>>) offsets(%dma_start3A_30 : memref<112xi32, #tpu.memory_space<vmem>>) semaphore(%run_scoped3A_27 : memref<!tpu.dma_semaphore, #tpu.memory_space<semaphore_mem>>) {add = true}
      %dma_wait3A_34 = arith.constant 0 : i32
      %dma_wait3A_35 = tpu.memref_slice %arg8[%run_scoped3A, %dma_wait3A_34] : memref<91x112xi32, #tpu.memory_space<vmem>> -> memref<1x112xi32, #tpu.memory_space<vmem>>
      %dma_wait3A_36 = tpu.memref_squeeze %dma_wait3A_35 : memref<1x112xi32, #tpu.memory_space<vmem>> -> memref<112xi32, #tpu.memory_space<vmem>>
      %dma_wait3A_37 = arith.constant 0 : i32
      %dma_wait3A_38 = arith.constant 0 : i32
      %dma_wait3A_39 = tpu.memref_slice %arg12[%dma_wait3A_37, %dma_wait3A_38] : memref<10112x48xf32, #tpu.memory_space<vmem_shared>> -> memref<10112x48xf32, #tpu.memory_space<vmem_shared>>
      tpu.wait_indirect_dma semaphore(%run_scoped3A_27 : memref<!tpu.dma_semaphore, #tpu.memory_space<semaphore_mem>>) src(%arg9 : memref<112x48xf32, #tpu.memory_space<vmem>>) dst(%dma_wait3A_39 : memref<10112x48xf32, #tpu.memory_space<vmem_shared>>)
      tpu.yield
    }) : () -> ()
    %barrier3A_26 = arith.constant 0 : index
    tpu.barrier barrier_id(%barrier3A_26)
    "tpu.region"() ({
      %run_scoped3A_27 = tpu.sem_alloc : memref<!tpu.dma_semaphore, #tpu.memory_space<semaphore_mem>>
      %dma_start3A_28 = arith.constant 0 : i32
      %dma_start3A_29 = arith.constant 0 : i32
      %dma_start3A_30 = tpu.memref_slice %arg6[%arg0, %dma_start3A_28, %dma_start3A_29] : memref<2x10112x48xf32, #tpu.memory_space<hbm>> -> memref<1x10112x48xf32, #tpu.memory_space<hbm>>
      %dma_start3A_31 = tpu.memref_squeeze %dma_start3A_30 : memref<1x10112x48xf32, #tpu.memory_space<hbm>> -> memref<10112x48xf32, #tpu.memory_space<hbm>>
      %dma_start3A_32 = arith.constant 0 : i32
      %dma_start3A_33 = tpu.memref_slice %dma_start3A_31[%mul3A_2, %dma_start3A_32] : memref<10112x48xf32, #tpu.memory_space<hbm>> -> memref<632x48xf32, #tpu.memory_space<hbm>>
      %dma_start3A_34 = arith.constant 0 : i32
      %dma_start3A_35 = tpu.memref_slice %arg12[%mul3A_2, %dma_start3A_34] : memref<10112x48xf32, #tpu.memory_space<vmem_shared>> -> memref<632x48xf32, #tpu.memory_space<vmem_shared>>
      tpu.enqueue_dma source(%dma_start3A_35 : memref<632x48xf32, #tpu.memory_space<vmem_shared>>) target(%dma_start3A_33 : memref<632x48xf32, #tpu.memory_space<hbm>>) target_semaphore(%run_scoped3A_27 : memref<!tpu.dma_semaphore, #tpu.memory_space<semaphore_mem>>)
      %dma_wait3A_36 = arith.constant 0 : i32
      %dma_wait3A_37 = arith.constant 0 : i32
      %dma_wait3A_38 = tpu.memref_slice %arg6[%arg0, %dma_wait3A_36, %dma_wait3A_37] : memref<2x10112x48xf32, #tpu.memory_space<hbm>> -> memref<1x10112x48xf32, #tpu.memory_space<hbm>>
      %dma_wait3A_39 = tpu.memref_squeeze %dma_wait3A_38 : memref<1x10112x48xf32, #tpu.memory_space<hbm>> -> memref<10112x48xf32, #tpu.memory_space<hbm>>
      %dma_wait3A_40 = arith.constant 0 : i32
      %dma_wait3A_41 = tpu.memref_slice %dma_wait3A_39[%mul3A_2, %dma_wait3A_40] : memref<10112x48xf32, #tpu.memory_space<hbm>> -> memref<632x48xf32, #tpu.memory_space<hbm>>
      %dma_wait3A_42 = arith.constant 0 : i32
      %dma_wait3A_43 = tpu.memref_slice %arg12[%mul3A_2, %dma_wait3A_42] : memref<10112x48xf32, #tpu.memory_space<vmem_shared>> -> memref<632x48xf32, #tpu.memory_space<vmem_shared>>
      tpu.wait_dma2 semaphore(%run_scoped3A_27 : memref<!tpu.dma_semaphore, #tpu.memory_space<semaphore_mem>>) src(%dma_wait3A_43 : memref<632x48xf32, #tpu.memory_space<vmem_shared>>) dst(%dma_wait3A_41 : memref<632x48xf32, #tpu.memory_space<hbm>>)
      tpu.yield
    }) : () -> ()
    return
  }
}

#map = affine_map<(d0, d1) -> (0, 0, 0)>
#map1 = affine_map<(d0, d1) -> (0, 0, 0, 0)>
#map2 = affine_map<(d0, d1) -> (0, 0)>
module attributes {stable_mosaic.version = 14 : i64} {
  func.func @body(%arg0: i32, %arg1: i32, %arg2: memref<2x10112x80xf32, #tpu.memory_space<hbm>>, %arg3: memref<16x2x179x56xi32, #tpu.memory_space<hbm>>, %arg4: memref<16x2x179x56xi32, #tpu.memory_space<hbm>>, %arg5: memref<632x80xf32, #tpu.memory_space<hbm>>, %arg6: memref<2x10112x80xf32, #tpu.memory_space<hbm>>, %arg7: memref<179x56xi32, #tpu.memory_space<vmem>>, %arg8: memref<179x56xi32, #tpu.memory_space<vmem>>, %arg9: memref<56x80xf32, #tpu.memory_space<vmem>>, %arg10: memref<56x80xf32, #tpu.memory_space<vmem>>, %arg11: memref<10112x80xf32, #tpu.memory_space<vmem_shared>>, %arg12: memref<10112x80xf32, #tpu.memory_space<vmem_shared>>, %arg13: memref<!tpu.dma_semaphore, #tpu.memory_space<semaphore_mem>>, %arg14: memref<!tpu.dma_semaphore, #tpu.memory_space<semaphore_mem>>, %arg15: memref<!tpu.dma_semaphore, #tpu.memory_space<semaphore_mem>>, %arg16: memref<!tpu.dma_semaphore, #tpu.memory_space<semaphore_mem>>) attributes {dimension_semantics = [#tpu.dimension_semantics<core_parallel>, #tpu.dimension_semantics<subcore_parallel>], iteration_bounds = array<i64: 2, 16>, scalar_prefetch = 0 : i64, scratch_operands = 10 : i64, tpu.core_type = #tpu.core_type<sc_vector_subcore>, window_params = [{transform_indices = #map}, {transform_indices = #map1}, {transform_indices = #map1}, {transform_indices = #map2}, {transform_indices = #map}]} {
    %mul3A = arith.constant 632 : i32
    %mul3A_0 = arith.muli %arg1, %mul3A : i32
    "tpu.region"() ({
      %run_scoped3A_56 = tpu.sem_alloc : memref<!tpu.dma_semaphore, #tpu.memory_space<semaphore_mem>>
      %dma_start3A_57 = arith.constant 0 : i32
      %dma_start3A_58 = tpu.memref_slice %arg12[%mul3A_0, %dma_start3A_57] : memref<10112x80xf32, #tpu.memory_space<vmem_shared>> -> memref<632x80xf32, #tpu.memory_space<vmem_shared>>
      tpu.enqueue_dma source(%arg5 : memref<632x80xf32, #tpu.memory_space<hbm>>) target(%dma_start3A_58 : memref<632x80xf32, #tpu.memory_space<vmem_shared>>) target_semaphore(%run_scoped3A_56 : memref<!tpu.dma_semaphore, #tpu.memory_space<semaphore_mem>>)
      %dma_wait3A_59 = arith.constant 0 : i32
      %dma_wait3A_60 = tpu.memref_slice %arg12[%mul3A_0, %dma_wait3A_59] : memref<10112x80xf32, #tpu.memory_space<vmem_shared>> -> memref<632x80xf32, #tpu.memory_space<vmem_shared>>
      tpu.wait_dma2 semaphore(%run_scoped3A_56 : memref<!tpu.dma_semaphore, #tpu.memory_space<semaphore_mem>>) src(%arg5 : memref<632x80xf32, #tpu.memory_space<hbm>>) dst(%dma_wait3A_60 : memref<632x80xf32, #tpu.memory_space<vmem_shared>>)
      tpu.yield
    }) : () -> ()
    "tpu.region"() ({
      %run_scoped3A_56 = tpu.sem_alloc : memref<!tpu.dma_semaphore, #tpu.memory_space<semaphore_mem>>
      %dma_start3A_57 = arith.constant 0 : i32
      %dma_start3A_58 = tpu.memref_slice %arg11[%mul3A_0, %dma_start3A_57] : memref<10112x80xf32, #tpu.memory_space<vmem_shared>> -> memref<632x80xf32, #tpu.memory_space<vmem_shared>>
      %dma_start3A_59 = arith.constant 0 : i32
      %dma_start3A_60 = arith.constant 0 : i32
      %dma_start3A_61 = tpu.memref_slice %arg2[%arg0, %dma_start3A_59, %dma_start3A_60] : memref<2x10112x80xf32, #tpu.memory_space<hbm>> -> memref<1x10112x80xf32, #tpu.memory_space<hbm>>
      %dma_start3A_62 = tpu.memref_squeeze %dma_start3A_61 : memref<1x10112x80xf32, #tpu.memory_space<hbm>> -> memref<10112x80xf32, #tpu.memory_space<hbm>>
      %dma_start3A_63 = arith.constant 0 : i32
      %dma_start3A_64 = tpu.memref_slice %dma_start3A_62[%mul3A_0, %dma_start3A_63] : memref<10112x80xf32, #tpu.memory_space<hbm>> -> memref<632x80xf32, #tpu.memory_space<hbm>>
      tpu.enqueue_dma source(%dma_start3A_64 : memref<632x80xf32, #tpu.memory_space<hbm>>) target(%dma_start3A_58 : memref<632x80xf32, #tpu.memory_space<vmem_shared>>) target_semaphore(%run_scoped3A_56 : memref<!tpu.dma_semaphore, #tpu.memory_space<semaphore_mem>>)
      %dma_wait3A_65 = arith.constant 0 : i32
      %dma_wait3A_66 = tpu.memref_slice %arg11[%mul3A_0, %dma_wait3A_65] : memref<10112x80xf32, #tpu.memory_space<vmem_shared>> -> memref<632x80xf32, #tpu.memory_space<vmem_shared>>
      %dma_wait3A_67 = arith.constant 0 : i32
      %dma_wait3A_68 = arith.constant 0 : i32
      %dma_wait3A_69 = tpu.memref_slice %arg2[%arg0, %dma_wait3A_67, %dma_wait3A_68] : memref<2x10112x80xf32, #tpu.memory_space<hbm>> -> memref<1x10112x80xf32, #tpu.memory_space<hbm>>
      %dma_wait3A_70 = tpu.memref_squeeze %dma_wait3A_69 : memref<1x10112x80xf32, #tpu.memory_space<hbm>> -> memref<10112x80xf32, #tpu.memory_space<hbm>>
      %dma_wait3A_71 = arith.constant 0 : i32
      %dma_wait3A_72 = tpu.memref_slice %dma_wait3A_70[%mul3A_0, %dma_wait3A_71] : memref<10112x80xf32, #tpu.memory_space<hbm>> -> memref<632x80xf32, #tpu.memory_space<hbm>>
      tpu.wait_dma2 semaphore(%run_scoped3A_56 : memref<!tpu.dma_semaphore, #tpu.memory_space<semaphore_mem>>) src(%dma_wait3A_72 : memref<632x80xf32, #tpu.memory_space<hbm>>) dst(%dma_wait3A_66 : memref<632x80xf32, #tpu.memory_space<vmem_shared>>)
      tpu.yield
    }) : () -> ()
    %run_scoped3A = arith.constant 0 : i32
    "tpu.region"() ({
      %run_scoped3A_56 = tpu.sem_alloc : memref<!tpu.dma_semaphore, #tpu.memory_space<semaphore_mem>>
      %dma_start3A_57 = arith.constant 0 : i32
      %dma_start3A_58 = arith.constant 0 : i32
      %dma_start3A_59 = tpu.memref_slice %arg3[%arg1, %run_scoped3A, %dma_start3A_57, %dma_start3A_58] : memref<16x2x179x56xi32, #tpu.memory_space<hbm>> -> memref<1x1x179x56xi32, #tpu.memory_space<hbm>>
      %dma_start3A_60 = tpu.memref_squeeze %dma_start3A_59 : memref<1x1x179x56xi32, #tpu.memory_space<hbm>> -> memref<179x56xi32, #tpu.memory_space<hbm>>
      %dma_start3A_61 = arith.constant 0 : i32
      %dma_start3A_62 = arith.constant 0 : i32
      %dma_start3A_63 = tpu.memref_slice %arg3[%arg1, %run_scoped3A, %dma_start3A_61, %dma_start3A_62] : memref<16x2x179x56xi32, #tpu.memory_space<hbm>> -> memref<1x1x179x56xi32, #tpu.memory_space<hbm>>
      %dma_start3A_64 = tpu.memref_squeeze %dma_start3A_63 : memref<1x1x179x56xi32, #tpu.memory_space<hbm>> -> memref<179x56xi32, #tpu.memory_space<hbm>>
      tpu.enqueue_dma source(%dma_start3A_64 : memref<179x56xi32, #tpu.memory_space<hbm>>) target(%arg7 : memref<179x56xi32, #tpu.memory_space<vmem>>) target_semaphore(%run_scoped3A_56 : memref<!tpu.dma_semaphore, #tpu.memory_space<semaphore_mem>>)
      %dma_wait3A_65 = arith.constant 0 : i32
      %dma_wait3A_66 = arith.constant 0 : i32
      %dma_wait3A_67 = tpu.memref_slice %arg3[%arg1, %run_scoped3A, %dma_wait3A_65, %dma_wait3A_66] : memref<16x2x179x56xi32, #tpu.memory_space<hbm>> -> memref<1x1x179x56xi32, #tpu.memory_space<hbm>>
      %dma_wait3A_68 = tpu.memref_squeeze %dma_wait3A_67 : memref<1x1x179x56xi32, #tpu.memory_space<hbm>> -> memref<179x56xi32, #tpu.memory_space<hbm>>
      %dma_wait3A_69 = arith.constant 0 : i32
      %dma_wait3A_70 = arith.constant 0 : i32
      %dma_wait3A_71 = tpu.memref_slice %arg3[%arg1, %run_scoped3A, %dma_wait3A_69, %dma_wait3A_70] : memref<16x2x179x56xi32, #tpu.memory_space<hbm>> -> memref<1x1x179x56xi32, #tpu.memory_space<hbm>>
      %dma_wait3A_72 = tpu.memref_squeeze %dma_wait3A_71 : memref<1x1x179x56xi32, #tpu.memory_space<hbm>> -> memref<179x56xi32, #tpu.memory_space<hbm>>
      tpu.wait_dma2 semaphore(%run_scoped3A_56 : memref<!tpu.dma_semaphore, #tpu.memory_space<semaphore_mem>>) src(%dma_wait3A_72 : memref<179x56xi32, #tpu.memory_space<hbm>>) dst(%arg7 : memref<179x56xi32, #tpu.memory_space<vmem>>)
      tpu.yield
    }) : () -> ()
    %run_scoped3A_1 = arith.constant 0 : i32
    "tpu.region"() ({
      %run_scoped3A_56 = tpu.sem_alloc : memref<!tpu.dma_semaphore, #tpu.memory_space<semaphore_mem>>
      %dma_start3A_57 = arith.constant 0 : i32
      %dma_start3A_58 = arith.constant 0 : i32
      %dma_start3A_59 = tpu.memref_slice %arg4[%arg1, %run_scoped3A_1, %dma_start3A_57, %dma_start3A_58] : memref<16x2x179x56xi32, #tpu.memory_space<hbm>> -> memref<1x1x179x56xi32, #tpu.memory_space<hbm>>
      %dma_start3A_60 = tpu.memref_squeeze %dma_start3A_59 : memref<1x1x179x56xi32, #tpu.memory_space<hbm>> -> memref<179x56xi32, #tpu.memory_space<hbm>>
      %dma_start3A_61 = arith.constant 0 : i32
      %dma_start3A_62 = arith.constant 0 : i32
      %dma_start3A_63 = tpu.memref_slice %arg4[%arg1, %run_scoped3A_1, %dma_start3A_61, %dma_start3A_62] : memref<16x2x179x56xi32, #tpu.memory_space<hbm>> -> memref<1x1x179x56xi32, #tpu.memory_space<hbm>>
      %dma_start3A_64 = tpu.memref_squeeze %dma_start3A_63 : memref<1x1x179x56xi32, #tpu.memory_space<hbm>> -> memref<179x56xi32, #tpu.memory_space<hbm>>
      tpu.enqueue_dma source(%dma_start3A_64 : memref<179x56xi32, #tpu.memory_space<hbm>>) target(%arg8 : memref<179x56xi32, #tpu.memory_space<vmem>>) target_semaphore(%run_scoped3A_56 : memref<!tpu.dma_semaphore, #tpu.memory_space<semaphore_mem>>)
      %dma_wait3A_65 = arith.constant 0 : i32
      %dma_wait3A_66 = arith.constant 0 : i32
      %dma_wait3A_67 = tpu.memref_slice %arg4[%arg1, %run_scoped3A_1, %dma_wait3A_65, %dma_wait3A_66] : memref<16x2x179x56xi32, #tpu.memory_space<hbm>> -> memref<1x1x179x56xi32, #tpu.memory_space<hbm>>
      %dma_wait3A_68 = tpu.memref_squeeze %dma_wait3A_67 : memref<1x1x179x56xi32, #tpu.memory_space<hbm>> -> memref<179x56xi32, #tpu.memory_space<hbm>>
      %dma_wait3A_69 = arith.constant 0 : i32
      %dma_wait3A_70 = arith.constant 0 : i32
      %dma_wait3A_71 = tpu.memref_slice %arg4[%arg1, %run_scoped3A_1, %dma_wait3A_69, %dma_wait3A_70] : memref<16x2x179x56xi32, #tpu.memory_space<hbm>> -> memref<1x1x179x56xi32, #tpu.memory_space<hbm>>
      %dma_wait3A_72 = tpu.memref_squeeze %dma_wait3A_71 : memref<1x1x179x56xi32, #tpu.memory_space<hbm>> -> memref<179x56xi32, #tpu.memory_space<hbm>>
      tpu.wait_dma2 semaphore(%run_scoped3A_56 : memref<!tpu.dma_semaphore, #tpu.memory_space<semaphore_mem>>) src(%dma_wait3A_72 : memref<179x56xi32, #tpu.memory_space<hbm>>) dst(%arg8 : memref<179x56xi32, #tpu.memory_space<vmem>>)
      tpu.yield
    }) : () -> ()
    %barrier3A = arith.constant 0 : index
    tpu.barrier barrier_id(%barrier3A)
    %dma_start3A = arith.constant 0 : i32
    %dma_start3A_2 = arith.constant 0 : i32
    %dma_start3A_3 = tpu.memref_slice %arg7[%dma_start3A, %dma_start3A_2] : memref<179x56xi32, #tpu.memory_space<vmem>> -> memref<1x56xi32, #tpu.memory_space<vmem>>
    %dma_start3A_4 = tpu.memref_squeeze %dma_start3A_3 : memref<1x56xi32, #tpu.memory_space<vmem>> -> memref<56xi32, #tpu.memory_space<vmem>>
    %dma_start3A_5 = arith.constant 0 : i32
    %dma_start3A_6 = arith.constant 0 : i32
    %dma_start3A_7 = tpu.memref_slice %arg11[%dma_start3A_5, %dma_start3A_6] : memref<10112x80xf32, #tpu.memory_space<vmem_shared>> -> memref<10112x80xf32, #tpu.memory_space<vmem_shared>>
    tpu.enqueue_indirect_dma source(%dma_start3A_7 : memref<10112x80xf32, #tpu.memory_space<vmem_shared>>) target(%arg9 : memref<56x80xf32, #tpu.memory_space<vmem>>) offsets(%dma_start3A_4 : memref<56xi32, #tpu.memory_space<vmem>>) semaphore(%arg13 : memref<!tpu.dma_semaphore, #tpu.memory_space<semaphore_mem>>)
    %dma_start3A_8 = arith.constant 1 : i32
    %dma_start3A_9 = arith.constant 0 : i32
    %dma_start3A_10 = tpu.memref_slice %arg7[%dma_start3A_8, %dma_start3A_9] : memref<179x56xi32, #tpu.memory_space<vmem>> -> memref<1x56xi32, #tpu.memory_space<vmem>>
    %dma_start3A_11 = tpu.memref_squeeze %dma_start3A_10 : memref<1x56xi32, #tpu.memory_space<vmem>> -> memref<56xi32, #tpu.memory_space<vmem>>
    %dma_start3A_12 = arith.constant 0 : i32
    %dma_start3A_13 = arith.constant 0 : i32
    %dma_start3A_14 = tpu.memref_slice %arg11[%dma_start3A_12, %dma_start3A_13] : memref<10112x80xf32, #tpu.memory_space<vmem_shared>> -> memref<10112x80xf32, #tpu.memory_space<vmem_shared>>
    tpu.enqueue_indirect_dma source(%dma_start3A_14 : memref<10112x80xf32, #tpu.memory_space<vmem_shared>>) target(%arg10 : memref<56x80xf32, #tpu.memory_space<vmem>>) offsets(%dma_start3A_11 : memref<56xi32, #tpu.memory_space<vmem>>) semaphore(%arg14 : memref<!tpu.dma_semaphore, #tpu.memory_space<semaphore_mem>>)
    %scan3A = arith.constant 0 : i32
    %scan3A_15 = arith.constant 89 : i32
    %scan3A_16 = arith.addi %scan3A, %scan3A_15 : i32
    %scan3A_17 = arith.constant 1 : i32
    scf.for %scan3A_56 = %scan3A to %scan3A_16 step %scan3A_17  : i32 {
      %mul3A_57 = arith.constant 1 : i32
      %mul3A_58 = arith.muli %scan3A_56, %mul3A_57 : i32
      %add3A = arith.constant 0 : i32
      %add3A_59 = arith.addi %add3A, %mul3A_58 : i32
      %mul3A_60 = arith.constant 2 : i32
      %mul3A_61 = arith.muli %mul3A_60, %add3A_59 : i32
      %dma_wait3A_62 = arith.constant 0 : i32
      %dma_wait3A_63 = tpu.memref_slice %arg7[%mul3A_61, %dma_wait3A_62] : memref<179x56xi32, #tpu.memory_space<vmem>> -> memref<1x56xi32, #tpu.memory_space<vmem>>
      %dma_wait3A_64 = tpu.memref_squeeze %dma_wait3A_63 : memref<1x56xi32, #tpu.memory_space<vmem>> -> memref<56xi32, #tpu.memory_space<vmem>>
      %dma_wait3A_65 = arith.constant 0 : i32
      %dma_wait3A_66 = arith.constant 0 : i32
      %dma_wait3A_67 = tpu.memref_slice %arg11[%dma_wait3A_65, %dma_wait3A_66] : memref<10112x80xf32, #tpu.memory_space<vmem_shared>> -> memref<10112x80xf32, #tpu.memory_space<vmem_shared>>
      tpu.wait_indirect_dma semaphore(%arg13 : memref<!tpu.dma_semaphore, #tpu.memory_space<semaphore_mem>>) src(%dma_wait3A_67 : memref<10112x80xf32, #tpu.memory_space<vmem_shared>>) dst(%arg9 : memref<56x80xf32, #tpu.memory_space<vmem>>)
      %dma_start3A_68 = arith.constant 0 : i32
      %dma_start3A_69 = tpu.memref_slice %arg8[%mul3A_61, %dma_start3A_68] : memref<179x56xi32, #tpu.memory_space<vmem>> -> memref<1x56xi32, #tpu.memory_space<vmem>>
      %dma_start3A_70 = tpu.memref_squeeze %dma_start3A_69 : memref<1x56xi32, #tpu.memory_space<vmem>> -> memref<56xi32, #tpu.memory_space<vmem>>
      %dma_start3A_71 = arith.constant 0 : i32
      %dma_start3A_72 = arith.constant 0 : i32
      %dma_start3A_73 = tpu.memref_slice %arg12[%dma_start3A_71, %dma_start3A_72] : memref<10112x80xf32, #tpu.memory_space<vmem_shared>> -> memref<10112x80xf32, #tpu.memory_space<vmem_shared>>
      tpu.enqueue_indirect_dma source(%arg9 : memref<56x80xf32, #tpu.memory_space<vmem>>) target(%dma_start3A_73 : memref<10112x80xf32, #tpu.memory_space<vmem_shared>>) offsets(%dma_start3A_70 : memref<56xi32, #tpu.memory_space<vmem>>) semaphore(%arg15 : memref<!tpu.dma_semaphore, #tpu.memory_space<semaphore_mem>>) {add = true}
      %add3A_74 = arith.constant 1 : i32
      %add3A_75 = arith.addi %mul3A_61, %add3A_74 : i32
      %dma_wait3A_76 = arith.constant 0 : i32
      %dma_wait3A_77 = tpu.memref_slice %arg7[%add3A_75, %dma_wait3A_76] : memref<179x56xi32, #tpu.memory_space<vmem>> -> memref<1x56xi32, #tpu.memory_space<vmem>>
      %dma_wait3A_78 = tpu.memref_squeeze %dma_wait3A_77 : memref<1x56xi32, #tpu.memory_space<vmem>> -> memref<56xi32, #tpu.memory_space<vmem>>
      %dma_wait3A_79 = arith.constant 0 : i32
      %dma_wait3A_80 = arith.constant 0 : i32
      %dma_wait3A_81 = tpu.memref_slice %arg11[%dma_wait3A_79, %dma_wait3A_80] : memref<10112x80xf32, #tpu.memory_space<vmem_shared>> -> memref<10112x80xf32, #tpu.memory_space<vmem_shared>>
      tpu.wait_indirect_dma semaphore(%arg14 : memref<!tpu.dma_semaphore, #tpu.memory_space<semaphore_mem>>) src(%dma_wait3A_81 : memref<10112x80xf32, #tpu.memory_space<vmem_shared>>) dst(%arg10 : memref<56x80xf32, #tpu.memory_space<vmem>>)
      %add3A_82 = arith.constant 1 : i32
      %add3A_83 = arith.addi %mul3A_61, %add3A_82 : i32
      %dma_start3A_84 = arith.constant 0 : i32
      %dma_start3A_85 = tpu.memref_slice %arg8[%add3A_83, %dma_start3A_84] : memref<179x56xi32, #tpu.memory_space<vmem>> -> memref<1x56xi32, #tpu.memory_space<vmem>>
      %dma_start3A_86 = tpu.memref_squeeze %dma_start3A_85 : memref<1x56xi32, #tpu.memory_space<vmem>> -> memref<56xi32, #tpu.memory_space<vmem>>
      %dma_start3A_87 = arith.constant 0 : i32
      %dma_start3A_88 = arith.constant 0 : i32
      %dma_start3A_89 = tpu.memref_slice %arg12[%dma_start3A_87, %dma_start3A_88] : memref<10112x80xf32, #tpu.memory_space<vmem_shared>> -> memref<10112x80xf32, #tpu.memory_space<vmem_shared>>
      tpu.enqueue_indirect_dma source(%arg10 : memref<56x80xf32, #tpu.memory_space<vmem>>) target(%dma_start3A_89 : memref<10112x80xf32, #tpu.memory_space<vmem_shared>>) offsets(%dma_start3A_86 : memref<56xi32, #tpu.memory_space<vmem>>) semaphore(%arg16 : memref<!tpu.dma_semaphore, #tpu.memory_space<semaphore_mem>>) {add = true}
      %dma_wait3A_90 = arith.constant 0 : i32
      %dma_wait3A_91 = tpu.memref_slice %arg8[%mul3A_61, %dma_wait3A_90] : memref<179x56xi32, #tpu.memory_space<vmem>> -> memref<1x56xi32, #tpu.memory_space<vmem>>
      %dma_wait3A_92 = tpu.memref_squeeze %dma_wait3A_91 : memref<1x56xi32, #tpu.memory_space<vmem>> -> memref<56xi32, #tpu.memory_space<vmem>>
      %dma_wait3A_93 = arith.constant 0 : i32
      %dma_wait3A_94 = arith.constant 0 : i32
      %dma_wait3A_95 = tpu.memref_slice %arg12[%dma_wait3A_93, %dma_wait3A_94] : memref<10112x80xf32, #tpu.memory_space<vmem_shared>> -> memref<10112x80xf32, #tpu.memory_space<vmem_shared>>
      tpu.wait_indirect_dma semaphore(%arg15 : memref<!tpu.dma_semaphore, #tpu.memory_space<semaphore_mem>>) src(%arg9 : memref<56x80xf32, #tpu.memory_space<vmem>>) dst(%dma_wait3A_95 : memref<10112x80xf32, #tpu.memory_space<vmem_shared>>)
      %add3A_96 = arith.constant 2 : i32
      %add3A_97 = arith.addi %mul3A_61, %add3A_96 : i32
      %dma_start3A_98 = arith.constant 0 : i32
      %dma_start3A_99 = tpu.memref_slice %arg7[%add3A_97, %dma_start3A_98] : memref<179x56xi32, #tpu.memory_space<vmem>> -> memref<1x56xi32, #tpu.memory_space<vmem>>
      %dma_start3A_100 = tpu.memref_squeeze %dma_start3A_99 : memref<1x56xi32, #tpu.memory_space<vmem>> -> memref<56xi32, #tpu.memory_space<vmem>>
      %dma_start3A_101 = arith.constant 0 : i32
      %dma_start3A_102 = arith.constant 0 : i32
      %dma_start3A_103 = tpu.memref_slice %arg11[%dma_start3A_101, %dma_start3A_102] : memref<10112x80xf32, #tpu.memory_space<vmem_shared>> -> memref<10112x80xf32, #tpu.memory_space<vmem_shared>>
      tpu.enqueue_indirect_dma source(%dma_start3A_103 : memref<10112x80xf32, #tpu.memory_space<vmem_shared>>) target(%arg9 : memref<56x80xf32, #tpu.memory_space<vmem>>) offsets(%dma_start3A_100 : memref<56xi32, #tpu.memory_space<vmem>>) semaphore(%arg13 : memref<!tpu.dma_semaphore, #tpu.memory_space<semaphore_mem>>)
      %add3A_104 = arith.constant 1 : i32
      %add3A_105 = arith.addi %mul3A_61, %add3A_104 : i32
      %dma_wait3A_106 = arith.constant 0 : i32
      %dma_wait3A_107 = tpu.memref_slice %arg8[%add3A_105, %dma_wait3A_106] : memref<179x56xi32, #tpu.memory_space<vmem>> -> memref<1x56xi32, #tpu.memory_space<vmem>>
      %dma_wait3A_108 = tpu.memref_squeeze %dma_wait3A_107 : memref<1x56xi32, #tpu.memory_space<vmem>> -> memref<56xi32, #tpu.memory_space<vmem>>
      %dma_wait3A_109 = arith.constant 0 : i32
      %dma_wait3A_110 = arith.constant 0 : i32
      %dma_wait3A_111 = tpu.memref_slice %arg12[%dma_wait3A_109, %dma_wait3A_110] : memref<10112x80xf32, #tpu.memory_space<vmem_shared>> -> memref<10112x80xf32, #tpu.memory_space<vmem_shared>>
      tpu.wait_indirect_dma semaphore(%arg16 : memref<!tpu.dma_semaphore, #tpu.memory_space<semaphore_mem>>) src(%arg10 : memref<56x80xf32, #tpu.memory_space<vmem>>) dst(%dma_wait3A_111 : memref<10112x80xf32, #tpu.memory_space<vmem_shared>>)
      %add3A_112 = arith.constant 3 : i32
      %add3A_113 = arith.addi %mul3A_61, %add3A_112 : i32
      %lt3A = arith.constant 179 : i32
      %lt3A_114 = arith.cmpi slt, %add3A_113, %lt3A : i32
      %convert_element_type3A = arith.extui %lt3A_114 : i1 to i32
      %cond3A = arith.constant 0 : i32
      %cond3A_115 = arith.cmpi ne, %convert_element_type3A, %cond3A : i32
      scf.if %cond3A_115 {
        %add3A_116 = arith.constant 3 : i32
        %add3A_117 = arith.addi %mul3A_61, %add3A_116 : i32
        %dma_start3A_118 = arith.constant 0 : i32
        %dma_start3A_119 = tpu.memref_slice %arg7[%add3A_117, %dma_start3A_118] : memref<179x56xi32, #tpu.memory_space<vmem>> -> memref<1x56xi32, #tpu.memory_space<vmem>>
        %dma_start3A_120 = tpu.memref_squeeze %dma_start3A_119 : memref<1x56xi32, #tpu.memory_space<vmem>> -> memref<56xi32, #tpu.memory_space<vmem>>
        %dma_start3A_121 = arith.constant 0 : i32
        %dma_start3A_122 = arith.constant 0 : i32
        %dma_start3A_123 = tpu.memref_slice %arg11[%dma_start3A_121, %dma_start3A_122] : memref<10112x80xf32, #tpu.memory_space<vmem_shared>> -> memref<10112x80xf32, #tpu.memory_space<vmem_shared>>
        tpu.enqueue_indirect_dma source(%dma_start3A_123 : memref<10112x80xf32, #tpu.memory_space<vmem_shared>>) target(%arg10 : memref<56x80xf32, #tpu.memory_space<vmem>>) offsets(%dma_start3A_120 : memref<56xi32, #tpu.memory_space<vmem>>) semaphore(%arg14 : memref<!tpu.dma_semaphore, #tpu.memory_space<semaphore_mem>>)
      } else {
      }
    }
    %scan3A_18 = arith.constant 89 : i32
    %dma_wait3A = arith.constant 178 : i32
    %dma_wait3A_19 = arith.constant 0 : i32
    %dma_wait3A_20 = tpu.memref_slice %arg7[%dma_wait3A, %dma_wait3A_19] : memref<179x56xi32, #tpu.memory_space<vmem>> -> memref<1x56xi32, #tpu.memory_space<vmem>>
    %dma_wait3A_21 = tpu.memref_squeeze %dma_wait3A_20 : memref<1x56xi32, #tpu.memory_space<vmem>> -> memref<56xi32, #tpu.memory_space<vmem>>
    %dma_wait3A_22 = arith.constant 0 : i32
    %dma_wait3A_23 = arith.constant 0 : i32
    %dma_wait3A_24 = tpu.memref_slice %arg11[%dma_wait3A_22, %dma_wait3A_23] : memref<10112x80xf32, #tpu.memory_space<vmem_shared>> -> memref<10112x80xf32, #tpu.memory_space<vmem_shared>>
    tpu.wait_indirect_dma semaphore(%arg13 : memref<!tpu.dma_semaphore, #tpu.memory_space<semaphore_mem>>) src(%dma_wait3A_24 : memref<10112x80xf32, #tpu.memory_space<vmem_shared>>) dst(%arg9 : memref<56x80xf32, #tpu.memory_space<vmem>>)
    %run_scoped3A_25 = arith.constant 178 : i32
    "tpu.region"() ({
      %run_scoped3A_56 = tpu.sem_alloc : memref<!tpu.dma_semaphore, #tpu.memory_space<semaphore_mem>>
      %dma_start3A_57 = arith.constant 0 : i32
      %dma_start3A_58 = tpu.memref_slice %arg8[%run_scoped3A_25, %dma_start3A_57] : memref<179x56xi32, #tpu.memory_space<vmem>> -> memref<1x56xi32, #tpu.memory_space<vmem>>
      %dma_start3A_59 = tpu.memref_squeeze %dma_start3A_58 : memref<1x56xi32, #tpu.memory_space<vmem>> -> memref<56xi32, #tpu.memory_space<vmem>>
      %dma_start3A_60 = arith.constant 0 : i32
      %dma_start3A_61 = arith.constant 0 : i32
      %dma_start3A_62 = tpu.memref_slice %arg12[%dma_start3A_60, %dma_start3A_61] : memref<10112x80xf32, #tpu.memory_space<vmem_shared>> -> memref<10112x80xf32, #tpu.memory_space<vmem_shared>>
      tpu.enqueue_indirect_dma source(%arg9 : memref<56x80xf32, #tpu.memory_space<vmem>>) target(%dma_start3A_62 : memref<10112x80xf32, #tpu.memory_space<vmem_shared>>) offsets(%dma_start3A_59 : memref<56xi32, #tpu.memory_space<vmem>>) semaphore(%run_scoped3A_56 : memref<!tpu.dma_semaphore, #tpu.memory_space<semaphore_mem>>) {add = true}
      %dma_wait3A_63 = arith.constant 0 : i32
      %dma_wait3A_64 = tpu.memref_slice %arg8[%run_scoped3A_25, %dma_wait3A_63] : memref<179x56xi32, #tpu.memory_space<vmem>> -> memref<1x56xi32, #tpu.memory_space<vmem>>
      %dma_wait3A_65 = tpu.memref_squeeze %dma_wait3A_64 : memref<1x56xi32, #tpu.memory_space<vmem>> -> memref<56xi32, #tpu.memory_space<vmem>>
      %dma_wait3A_66 = arith.constant 0 : i32
      %dma_wait3A_67 = arith.constant 0 : i32
      %dma_wait3A_68 = tpu.memref_slice %arg12[%dma_wait3A_66, %dma_wait3A_67] : memref<10112x80xf32, #tpu.memory_space<vmem_shared>> -> memref<10112x80xf32, #tpu.memory_space<vmem_shared>>
      tpu.wait_indirect_dma semaphore(%run_scoped3A_56 : memref<!tpu.dma_semaphore, #tpu.memory_space<semaphore_mem>>) src(%arg9 : memref<56x80xf32, #tpu.memory_space<vmem>>) dst(%dma_wait3A_68 : memref<10112x80xf32, #tpu.memory_space<vmem_shared>>)
      tpu.yield
    }) : () -> ()
    %run_scoped3A_26 = arith.constant 1 : i32
    "tpu.region"() ({
      %run_scoped3A_56 = tpu.sem_alloc : memref<!tpu.dma_semaphore, #tpu.memory_space<semaphore_mem>>
      %dma_start3A_57 = arith.constant 0 : i32
      %dma_start3A_58 = arith.constant 0 : i32
      %dma_start3A_59 = tpu.memref_slice %arg3[%arg1, %run_scoped3A_26, %dma_start3A_57, %dma_start3A_58] : memref<16x2x179x56xi32, #tpu.memory_space<hbm>> -> memref<1x1x179x56xi32, #tpu.memory_space<hbm>>
      %dma_start3A_60 = tpu.memref_squeeze %dma_start3A_59 : memref<1x1x179x56xi32, #tpu.memory_space<hbm>> -> memref<179x56xi32, #tpu.memory_space<hbm>>
      %dma_start3A_61 = arith.constant 0 : i32
      %dma_start3A_62 = arith.constant 0 : i32
      %dma_start3A_63 = tpu.memref_slice %arg3[%arg1, %run_scoped3A_26, %dma_start3A_61, %dma_start3A_62] : memref<16x2x179x56xi32, #tpu.memory_space<hbm>> -> memref<1x1x179x56xi32, #tpu.memory_space<hbm>>
      %dma_start3A_64 = tpu.memref_squeeze %dma_start3A_63 : memref<1x1x179x56xi32, #tpu.memory_space<hbm>> -> memref<179x56xi32, #tpu.memory_space<hbm>>
      tpu.enqueue_dma source(%dma_start3A_64 : memref<179x56xi32, #tpu.memory_space<hbm>>) target(%arg7 : memref<179x56xi32, #tpu.memory_space<vmem>>) target_semaphore(%run_scoped3A_56 : memref<!tpu.dma_semaphore, #tpu.memory_space<semaphore_mem>>)
      %dma_wait3A_65 = arith.constant 0 : i32
      %dma_wait3A_66 = arith.constant 0 : i32
      %dma_wait3A_67 = tpu.memref_slice %arg3[%arg1, %run_scoped3A_26, %dma_wait3A_65, %dma_wait3A_66] : memref<16x2x179x56xi32, #tpu.memory_space<hbm>> -> memref<1x1x179x56xi32, #tpu.memory_space<hbm>>
      %dma_wait3A_68 = tpu.memref_squeeze %dma_wait3A_67 : memref<1x1x179x56xi32, #tpu.memory_space<hbm>> -> memref<179x56xi32, #tpu.memory_space<hbm>>
      %dma_wait3A_69 = arith.constant 0 : i32
      %dma_wait3A_70 = arith.constant 0 : i32
      %dma_wait3A_71 = tpu.memref_slice %arg3[%arg1, %run_scoped3A_26, %dma_wait3A_69, %dma_wait3A_70] : memref<16x2x179x56xi32, #tpu.memory_space<hbm>> -> memref<1x1x179x56xi32, #tpu.memory_space<hbm>>
      %dma_wait3A_72 = tpu.memref_squeeze %dma_wait3A_71 : memref<1x1x179x56xi32, #tpu.memory_space<hbm>> -> memref<179x56xi32, #tpu.memory_space<hbm>>
      tpu.wait_dma2 semaphore(%run_scoped3A_56 : memref<!tpu.dma_semaphore, #tpu.memory_space<semaphore_mem>>) src(%dma_wait3A_72 : memref<179x56xi32, #tpu.memory_space<hbm>>) dst(%arg7 : memref<179x56xi32, #tpu.memory_space<vmem>>)
      tpu.yield
    }) : () -> ()
    %run_scoped3A_27 = arith.constant 1 : i32
    "tpu.region"() ({
      %run_scoped3A_56 = tpu.sem_alloc : memref<!tpu.dma_semaphore, #tpu.memory_space<semaphore_mem>>
      %dma_start3A_57 = arith.constant 0 : i32
      %dma_start3A_58 = arith.constant 0 : i32
      %dma_start3A_59 = tpu.memref_slice %arg4[%arg1, %run_scoped3A_27, %dma_start3A_57, %dma_start3A_58] : memref<16x2x179x56xi32, #tpu.memory_space<hbm>> -> memref<1x1x179x56xi32, #tpu.memory_space<hbm>>
      %dma_start3A_60 = tpu.memref_squeeze %dma_start3A_59 : memref<1x1x179x56xi32, #tpu.memory_space<hbm>> -> memref<179x56xi32, #tpu.memory_space<hbm>>
      %dma_start3A_61 = arith.constant 0 : i32
      %dma_start3A_62 = arith.constant 0 : i32
      %dma_start3A_63 = tpu.memref_slice %arg4[%arg1, %run_scoped3A_27, %dma_start3A_61, %dma_start3A_62] : memref<16x2x179x56xi32, #tpu.memory_space<hbm>> -> memref<1x1x179x56xi32, #tpu.memory_space<hbm>>
      %dma_start3A_64 = tpu.memref_squeeze %dma_start3A_63 : memref<1x1x179x56xi32, #tpu.memory_space<hbm>> -> memref<179x56xi32, #tpu.memory_space<hbm>>
      tpu.enqueue_dma source(%dma_start3A_64 : memref<179x56xi32, #tpu.memory_space<hbm>>) target(%arg8 : memref<179x56xi32, #tpu.memory_space<vmem>>) target_semaphore(%run_scoped3A_56 : memref<!tpu.dma_semaphore, #tpu.memory_space<semaphore_mem>>)
      %dma_wait3A_65 = arith.constant 0 : i32
      %dma_wait3A_66 = arith.constant 0 : i32
      %dma_wait3A_67 = tpu.memref_slice %arg4[%arg1, %run_scoped3A_27, %dma_wait3A_65, %dma_wait3A_66] : memref<16x2x179x56xi32, #tpu.memory_space<hbm>> -> memref<1x1x179x56xi32, #tpu.memory_space<hbm>>
      %dma_wait3A_68 = tpu.memref_squeeze %dma_wait3A_67 : memref<1x1x179x56xi32, #tpu.memory_space<hbm>> -> memref<179x56xi32, #tpu.memory_space<hbm>>
      %dma_wait3A_69 = arith.constant 0 : i32
      %dma_wait3A_70 = arith.constant 0 : i32
      %dma_wait3A_71 = tpu.memref_slice %arg4[%arg1, %run_scoped3A_27, %dma_wait3A_69, %dma_wait3A_70] : memref<16x2x179x56xi32, #tpu.memory_space<hbm>> -> memref<1x1x179x56xi32, #tpu.memory_space<hbm>>
      %dma_wait3A_72 = tpu.memref_squeeze %dma_wait3A_71 : memref<1x1x179x56xi32, #tpu.memory_space<hbm>> -> memref<179x56xi32, #tpu.memory_space<hbm>>
      tpu.wait_dma2 semaphore(%run_scoped3A_56 : memref<!tpu.dma_semaphore, #tpu.memory_space<semaphore_mem>>) src(%dma_wait3A_72 : memref<179x56xi32, #tpu.memory_space<hbm>>) dst(%arg8 : memref<179x56xi32, #tpu.memory_space<vmem>>)
      tpu.yield
    }) : () -> ()
    %dma_start3A_28 = arith.constant 0 : i32
    %dma_start3A_29 = arith.constant 0 : i32
    %dma_start3A_30 = tpu.memref_slice %arg7[%dma_start3A_28, %dma_start3A_29] : memref<179x56xi32, #tpu.memory_space<vmem>> -> memref<1x56xi32, #tpu.memory_space<vmem>>
    %dma_start3A_31 = tpu.memref_squeeze %dma_start3A_30 : memref<1x56xi32, #tpu.memory_space<vmem>> -> memref<56xi32, #tpu.memory_space<vmem>>
    %dma_start3A_32 = arith.constant 0 : i32
    %dma_start3A_33 = arith.constant 0 : i32
    %dma_start3A_34 = tpu.memref_slice %arg11[%dma_start3A_32, %dma_start3A_33] : memref<10112x80xf32, #tpu.memory_space<vmem_shared>> -> memref<10112x80xf32, #tpu.memory_space<vmem_shared>>
    tpu.enqueue_indirect_dma source(%dma_start3A_34 : memref<10112x80xf32, #tpu.memory_space<vmem_shared>>) target(%arg9 : memref<56x80xf32, #tpu.memory_space<vmem>>) offsets(%dma_start3A_31 : memref<56xi32, #tpu.memory_space<vmem>>) semaphore(%arg13 : memref<!tpu.dma_semaphore, #tpu.memory_space<semaphore_mem>>)
    %dma_start3A_35 = arith.constant 1 : i32
    %dma_start3A_36 = arith.constant 0 : i32
    %dma_start3A_37 = tpu.memref_slice %arg7[%dma_start3A_35, %dma_start3A_36] : memref<179x56xi32, #tpu.memory_space<vmem>> -> memref<1x56xi32, #tpu.memory_space<vmem>>
    %dma_start3A_38 = tpu.memref_squeeze %dma_start3A_37 : memref<1x56xi32, #tpu.memory_space<vmem>> -> memref<56xi32, #tpu.memory_space<vmem>>
    %dma_start3A_39 = arith.constant 0 : i32
    %dma_start3A_40 = arith.constant 0 : i32
    %dma_start3A_41 = tpu.memref_slice %arg11[%dma_start3A_39, %dma_start3A_40] : memref<10112x80xf32, #tpu.memory_space<vmem_shared>> -> memref<10112x80xf32, #tpu.memory_space<vmem_shared>>
    tpu.enqueue_indirect_dma source(%dma_start3A_41 : memref<10112x80xf32, #tpu.memory_space<vmem_shared>>) target(%arg10 : memref<56x80xf32, #tpu.memory_space<vmem>>) offsets(%dma_start3A_38 : memref<56xi32, #tpu.memory_space<vmem>>) semaphore(%arg14 : memref<!tpu.dma_semaphore, #tpu.memory_space<semaphore_mem>>)
    %scan3A_42 = arith.constant 0 : i32
    %scan3A_43 = arith.constant 89 : i32
    %scan3A_44 = arith.addi %scan3A_42, %scan3A_43 : i32
    %scan3A_45 = arith.constant 1 : i32
    scf.for %scan3A_56 = %scan3A_42 to %scan3A_44 step %scan3A_45  : i32 {
      %mul3A_57 = arith.constant 1 : i32
      %mul3A_58 = arith.muli %scan3A_56, %mul3A_57 : i32
      %add3A = arith.constant 0 : i32
      %add3A_59 = arith.addi %add3A, %mul3A_58 : i32
      %mul3A_60 = arith.constant 2 : i32
      %mul3A_61 = arith.muli %mul3A_60, %add3A_59 : i32
      %dma_wait3A_62 = arith.constant 0 : i32
      %dma_wait3A_63 = tpu.memref_slice %arg7[%mul3A_61, %dma_wait3A_62] : memref<179x56xi32, #tpu.memory_space<vmem>> -> memref<1x56xi32, #tpu.memory_space<vmem>>
      %dma_wait3A_64 = tpu.memref_squeeze %dma_wait3A_63 : memref<1x56xi32, #tpu.memory_space<vmem>> -> memref<56xi32, #tpu.memory_space<vmem>>
      %dma_wait3A_65 = arith.constant 0 : i32
      %dma_wait3A_66 = arith.constant 0 : i32
      %dma_wait3A_67 = tpu.memref_slice %arg11[%dma_wait3A_65, %dma_wait3A_66] : memref<10112x80xf32, #tpu.memory_space<vmem_shared>> -> memref<10112x80xf32, #tpu.memory_space<vmem_shared>>
      tpu.wait_indirect_dma semaphore(%arg13 : memref<!tpu.dma_semaphore, #tpu.memory_space<semaphore_mem>>) src(%dma_wait3A_67 : memref<10112x80xf32, #tpu.memory_space<vmem_shared>>) dst(%arg9 : memref<56x80xf32, #tpu.memory_space<vmem>>)
      %dma_start3A_68 = arith.constant 0 : i32
      %dma_start3A_69 = tpu.memref_slice %arg8[%mul3A_61, %dma_start3A_68] : memref<179x56xi32, #tpu.memory_space<vmem>> -> memref<1x56xi32, #tpu.memory_space<vmem>>
      %dma_start3A_70 = tpu.memref_squeeze %dma_start3A_69 : memref<1x56xi32, #tpu.memory_space<vmem>> -> memref<56xi32, #tpu.memory_space<vmem>>
      %dma_start3A_71 = arith.constant 0 : i32
      %dma_start3A_72 = arith.constant 0 : i32
      %dma_start3A_73 = tpu.memref_slice %arg12[%dma_start3A_71, %dma_start3A_72] : memref<10112x80xf32, #tpu.memory_space<vmem_shared>> -> memref<10112x80xf32, #tpu.memory_space<vmem_shared>>
      tpu.enqueue_indirect_dma source(%arg9 : memref<56x80xf32, #tpu.memory_space<vmem>>) target(%dma_start3A_73 : memref<10112x80xf32, #tpu.memory_space<vmem_shared>>) offsets(%dma_start3A_70 : memref<56xi32, #tpu.memory_space<vmem>>) semaphore(%arg15 : memref<!tpu.dma_semaphore, #tpu.memory_space<semaphore_mem>>) {add = true}
      %add3A_74 = arith.constant 1 : i32
      %add3A_75 = arith.addi %mul3A_61, %add3A_74 : i32
      %dma_wait3A_76 = arith.constant 0 : i32
      %dma_wait3A_77 = tpu.memref_slice %arg7[%add3A_75, %dma_wait3A_76] : memref<179x56xi32, #tpu.memory_space<vmem>> -> memref<1x56xi32, #tpu.memory_space<vmem>>
      %dma_wait3A_78 = tpu.memref_squeeze %dma_wait3A_77 : memref<1x56xi32, #tpu.memory_space<vmem>> -> memref<56xi32, #tpu.memory_space<vmem>>
      %dma_wait3A_79 = arith.constant 0 : i32
      %dma_wait3A_80 = arith.constant 0 : i32
      %dma_wait3A_81 = tpu.memref_slice %arg11[%dma_wait3A_79, %dma_wait3A_80] : memref<10112x80xf32, #tpu.memory_space<vmem_shared>> -> memref<10112x80xf32, #tpu.memory_space<vmem_shared>>
      tpu.wait_indirect_dma semaphore(%arg14 : memref<!tpu.dma_semaphore, #tpu.memory_space<semaphore_mem>>) src(%dma_wait3A_81 : memref<10112x80xf32, #tpu.memory_space<vmem_shared>>) dst(%arg10 : memref<56x80xf32, #tpu.memory_space<vmem>>)
      %add3A_82 = arith.constant 1 : i32
      %add3A_83 = arith.addi %mul3A_61, %add3A_82 : i32
      %dma_start3A_84 = arith.constant 0 : i32
      %dma_start3A_85 = tpu.memref_slice %arg8[%add3A_83, %dma_start3A_84] : memref<179x56xi32, #tpu.memory_space<vmem>> -> memref<1x56xi32, #tpu.memory_space<vmem>>
      %dma_start3A_86 = tpu.memref_squeeze %dma_start3A_85 : memref<1x56xi32, #tpu.memory_space<vmem>> -> memref<56xi32, #tpu.memory_space<vmem>>
      %dma_start3A_87 = arith.constant 0 : i32
      %dma_start3A_88 = arith.constant 0 : i32
      %dma_start3A_89 = tpu.memref_slice %arg12[%dma_start3A_87, %dma_start3A_88] : memref<10112x80xf32, #tpu.memory_space<vmem_shared>> -> memref<10112x80xf32, #tpu.memory_space<vmem_shared>>
      tpu.enqueue_indirect_dma source(%arg10 : memref<56x80xf32, #tpu.memory_space<vmem>>) target(%dma_start3A_89 : memref<10112x80xf32, #tpu.memory_space<vmem_shared>>) offsets(%dma_start3A_86 : memref<56xi32, #tpu.memory_space<vmem>>) semaphore(%arg16 : memref<!tpu.dma_semaphore, #tpu.memory_space<semaphore_mem>>) {add = true}
      %dma_wait3A_90 = arith.constant 0 : i32
      %dma_wait3A_91 = tpu.memref_slice %arg8[%mul3A_61, %dma_wait3A_90] : memref<179x56xi32, #tpu.memory_space<vmem>> -> memref<1x56xi32, #tpu.memory_space<vmem>>
      %dma_wait3A_92 = tpu.memref_squeeze %dma_wait3A_91 : memref<1x56xi32, #tpu.memory_space<vmem>> -> memref<56xi32, #tpu.memory_space<vmem>>
      %dma_wait3A_93 = arith.constant 0 : i32
      %dma_wait3A_94 = arith.constant 0 : i32
      %dma_wait3A_95 = tpu.memref_slice %arg12[%dma_wait3A_93, %dma_wait3A_94] : memref<10112x80xf32, #tpu.memory_space<vmem_shared>> -> memref<10112x80xf32, #tpu.memory_space<vmem_shared>>
      tpu.wait_indirect_dma semaphore(%arg15 : memref<!tpu.dma_semaphore, #tpu.memory_space<semaphore_mem>>) src(%arg9 : memref<56x80xf32, #tpu.memory_space<vmem>>) dst(%dma_wait3A_95 : memref<10112x80xf32, #tpu.memory_space<vmem_shared>>)
      %add3A_96 = arith.constant 2 : i32
      %add3A_97 = arith.addi %mul3A_61, %add3A_96 : i32
      %dma_start3A_98 = arith.constant 0 : i32
      %dma_start3A_99 = tpu.memref_slice %arg7[%add3A_97, %dma_start3A_98] : memref<179x56xi32, #tpu.memory_space<vmem>> -> memref<1x56xi32, #tpu.memory_space<vmem>>
      %dma_start3A_100 = tpu.memref_squeeze %dma_start3A_99 : memref<1x56xi32, #tpu.memory_space<vmem>> -> memref<56xi32, #tpu.memory_space<vmem>>
      %dma_start3A_101 = arith.constant 0 : i32
      %dma_start3A_102 = arith.constant 0 : i32
      %dma_start3A_103 = tpu.memref_slice %arg11[%dma_start3A_101, %dma_start3A_102] : memref<10112x80xf32, #tpu.memory_space<vmem_shared>> -> memref<10112x80xf32, #tpu.memory_space<vmem_shared>>
      tpu.enqueue_indirect_dma source(%dma_start3A_103 : memref<10112x80xf32, #tpu.memory_space<vmem_shared>>) target(%arg9 : memref<56x80xf32, #tpu.memory_space<vmem>>) offsets(%dma_start3A_100 : memref<56xi32, #tpu.memory_space<vmem>>) semaphore(%arg13 : memref<!tpu.dma_semaphore, #tpu.memory_space<semaphore_mem>>)
      %add3A_104 = arith.constant 1 : i32
      %add3A_105 = arith.addi %mul3A_61, %add3A_104 : i32
      %dma_wait3A_106 = arith.constant 0 : i32
      %dma_wait3A_107 = tpu.memref_slice %arg8[%add3A_105, %dma_wait3A_106] : memref<179x56xi32, #tpu.memory_space<vmem>> -> memref<1x56xi32, #tpu.memory_space<vmem>>
      %dma_wait3A_108 = tpu.memref_squeeze %dma_wait3A_107 : memref<1x56xi32, #tpu.memory_space<vmem>> -> memref<56xi32, #tpu.memory_space<vmem>>
      %dma_wait3A_109 = arith.constant 0 : i32
      %dma_wait3A_110 = arith.constant 0 : i32
      %dma_wait3A_111 = tpu.memref_slice %arg12[%dma_wait3A_109, %dma_wait3A_110] : memref<10112x80xf32, #tpu.memory_space<vmem_shared>> -> memref<10112x80xf32, #tpu.memory_space<vmem_shared>>
      tpu.wait_indirect_dma semaphore(%arg16 : memref<!tpu.dma_semaphore, #tpu.memory_space<semaphore_mem>>) src(%arg10 : memref<56x80xf32, #tpu.memory_space<vmem>>) dst(%dma_wait3A_111 : memref<10112x80xf32, #tpu.memory_space<vmem_shared>>)
      %add3A_112 = arith.constant 3 : i32
      %add3A_113 = arith.addi %mul3A_61, %add3A_112 : i32
      %lt3A = arith.constant 179 : i32
      %lt3A_114 = arith.cmpi slt, %add3A_113, %lt3A : i32
      %convert_element_type3A = arith.extui %lt3A_114 : i1 to i32
      %cond3A = arith.constant 0 : i32
      %cond3A_115 = arith.cmpi ne, %convert_element_type3A, %cond3A : i32
      scf.if %cond3A_115 {
        %add3A_116 = arith.constant 3 : i32
        %add3A_117 = arith.addi %mul3A_61, %add3A_116 : i32
        %dma_start3A_118 = arith.constant 0 : i32
        %dma_start3A_119 = tpu.memref_slice %arg7[%add3A_117, %dma_start3A_118] : memref<179x56xi32, #tpu.memory_space<vmem>> -> memref<1x56xi32, #tpu.memory_space<vmem>>
        %dma_start3A_120 = tpu.memref_squeeze %dma_start3A_119 : memref<1x56xi32, #tpu.memory_space<vmem>> -> memref<56xi32, #tpu.memory_space<vmem>>
        %dma_start3A_121 = arith.constant 0 : i32
        %dma_start3A_122 = arith.constant 0 : i32
        %dma_start3A_123 = tpu.memref_slice %arg11[%dma_start3A_121, %dma_start3A_122] : memref<10112x80xf32, #tpu.memory_space<vmem_shared>> -> memref<10112x80xf32, #tpu.memory_space<vmem_shared>>
        tpu.enqueue_indirect_dma source(%dma_start3A_123 : memref<10112x80xf32, #tpu.memory_space<vmem_shared>>) target(%arg10 : memref<56x80xf32, #tpu.memory_space<vmem>>) offsets(%dma_start3A_120 : memref<56xi32, #tpu.memory_space<vmem>>) semaphore(%arg14 : memref<!tpu.dma_semaphore, #tpu.memory_space<semaphore_mem>>)
      } else {
      }
    }
    %scan3A_46 = arith.constant 89 : i32
    %dma_wait3A_47 = arith.constant 178 : i32
    %dma_wait3A_48 = arith.constant 0 : i32
    %dma_wait3A_49 = tpu.memref_slice %arg7[%dma_wait3A_47, %dma_wait3A_48] : memref<179x56xi32, #tpu.memory_space<vmem>> -> memref<1x56xi32, #tpu.memory_space<vmem>>
    %dma_wait3A_50 = tpu.memref_squeeze %dma_wait3A_49 : memref<1x56xi32, #tpu.memory_space<vmem>> -> memref<56xi32, #tpu.memory_space<vmem>>
    %dma_wait3A_51 = arith.constant 0 : i32
    %dma_wait3A_52 = arith.constant 0 : i32
    %dma_wait3A_53 = tpu.memref_slice %arg11[%dma_wait3A_51, %dma_wait3A_52] : memref<10112x80xf32, #tpu.memory_space<vmem_shared>> -> memref<10112x80xf32, #tpu.memory_space<vmem_shared>>
    tpu.wait_indirect_dma semaphore(%arg13 : memref<!tpu.dma_semaphore, #tpu.memory_space<semaphore_mem>>) src(%dma_wait3A_53 : memref<10112x80xf32, #tpu.memory_space<vmem_shared>>) dst(%arg9 : memref<56x80xf32, #tpu.memory_space<vmem>>)
    %run_scoped3A_54 = arith.constant 178 : i32
    "tpu.region"() ({
      %run_scoped3A_56 = tpu.sem_alloc : memref<!tpu.dma_semaphore, #tpu.memory_space<semaphore_mem>>
      %dma_start3A_57 = arith.constant 0 : i32
      %dma_start3A_58 = tpu.memref_slice %arg8[%run_scoped3A_54, %dma_start3A_57] : memref<179x56xi32, #tpu.memory_space<vmem>> -> memref<1x56xi32, #tpu.memory_space<vmem>>
      %dma_start3A_59 = tpu.memref_squeeze %dma_start3A_58 : memref<1x56xi32, #tpu.memory_space<vmem>> -> memref<56xi32, #tpu.memory_space<vmem>>
      %dma_start3A_60 = arith.constant 0 : i32
      %dma_start3A_61 = arith.constant 0 : i32
      %dma_start3A_62 = tpu.memref_slice %arg12[%dma_start3A_60, %dma_start3A_61] : memref<10112x80xf32, #tpu.memory_space<vmem_shared>> -> memref<10112x80xf32, #tpu.memory_space<vmem_shared>>
      tpu.enqueue_indirect_dma source(%arg9 : memref<56x80xf32, #tpu.memory_space<vmem>>) target(%dma_start3A_62 : memref<10112x80xf32, #tpu.memory_space<vmem_shared>>) offsets(%dma_start3A_59 : memref<56xi32, #tpu.memory_space<vmem>>) semaphore(%run_scoped3A_56 : memref<!tpu.dma_semaphore, #tpu.memory_space<semaphore_mem>>) {add = true}
      %dma_wait3A_63 = arith.constant 0 : i32
      %dma_wait3A_64 = tpu.memref_slice %arg8[%run_scoped3A_54, %dma_wait3A_63] : memref<179x56xi32, #tpu.memory_space<vmem>> -> memref<1x56xi32, #tpu.memory_space<vmem>>
      %dma_wait3A_65 = tpu.memref_squeeze %dma_wait3A_64 : memref<1x56xi32, #tpu.memory_space<vmem>> -> memref<56xi32, #tpu.memory_space<vmem>>
      %dma_wait3A_66 = arith.constant 0 : i32
      %dma_wait3A_67 = arith.constant 0 : i32
      %dma_wait3A_68 = tpu.memref_slice %arg12[%dma_wait3A_66, %dma_wait3A_67] : memref<10112x80xf32, #tpu.memory_space<vmem_shared>> -> memref<10112x80xf32, #tpu.memory_space<vmem_shared>>
      tpu.wait_indirect_dma semaphore(%run_scoped3A_56 : memref<!tpu.dma_semaphore, #tpu.memory_space<semaphore_mem>>) src(%arg9 : memref<56x80xf32, #tpu.memory_space<vmem>>) dst(%dma_wait3A_68 : memref<10112x80xf32, #tpu.memory_space<vmem_shared>>)
      tpu.yield
    }) : () -> ()
    %barrier3A_55 = arith.constant 0 : index
    tpu.barrier barrier_id(%barrier3A_55)
    "tpu.region"() ({
      %run_scoped3A_56 = tpu.sem_alloc : memref<!tpu.dma_semaphore, #tpu.memory_space<semaphore_mem>>
      %dma_start3A_57 = arith.constant 0 : i32
      %dma_start3A_58 = arith.constant 0 : i32
      %dma_start3A_59 = tpu.memref_slice %arg6[%arg0, %dma_start3A_57, %dma_start3A_58] : memref<2x10112x80xf32, #tpu.memory_space<hbm>> -> memref<1x10112x80xf32, #tpu.memory_space<hbm>>
      %dma_start3A_60 = tpu.memref_squeeze %dma_start3A_59 : memref<1x10112x80xf32, #tpu.memory_space<hbm>> -> memref<10112x80xf32, #tpu.memory_space<hbm>>
      %dma_start3A_61 = arith.constant 0 : i32
      %dma_start3A_62 = tpu.memref_slice %dma_start3A_60[%mul3A_0, %dma_start3A_61] : memref<10112x80xf32, #tpu.memory_space<hbm>> -> memref<632x80xf32, #tpu.memory_space<hbm>>
      %dma_start3A_63 = arith.constant 0 : i32
      %dma_start3A_64 = tpu.memref_slice %arg12[%mul3A_0, %dma_start3A_63] : memref<10112x80xf32, #tpu.memory_space<vmem_shared>> -> memref<632x80xf32, #tpu.memory_space<vmem_shared>>
      tpu.enqueue_dma source(%dma_start3A_64 : memref<632x80xf32, #tpu.memory_space<vmem_shared>>) target(%dma_start3A_62 : memref<632x80xf32, #tpu.memory_space<hbm>>) target_semaphore(%run_scoped3A_56 : memref<!tpu.dma_semaphore, #tpu.memory_space<semaphore_mem>>)
      %dma_wait3A_65 = arith.constant 0 : i32
      %dma_wait3A_66 = arith.constant 0 : i32
      %dma_wait3A_67 = tpu.memref_slice %arg6[%arg0, %dma_wait3A_65, %dma_wait3A_66] : memref<2x10112x80xf32, #tpu.memory_space<hbm>> -> memref<1x10112x80xf32, #tpu.memory_space<hbm>>
      %dma_wait3A_68 = tpu.memref_squeeze %dma_wait3A_67 : memref<1x10112x80xf32, #tpu.memory_space<hbm>> -> memref<10112x80xf32, #tpu.memory_space<hbm>>
      %dma_wait3A_69 = arith.constant 0 : i32
      %dma_wait3A_70 = tpu.memref_slice %dma_wait3A_68[%mul3A_0, %dma_wait3A_69] : memref<10112x80xf32, #tpu.memory_space<hbm>> -> memref<632x80xf32, #tpu.memory_space<hbm>>
      %dma_wait3A_71 = arith.constant 0 : i32
      %dma_wait3A_72 = tpu.memref_slice %arg12[%mul3A_0, %dma_wait3A_71] : memref<10112x80xf32, #tpu.memory_space<vmem_shared>> -> memref<632x80xf32, #tpu.memory_space<vmem_shared>>
      tpu.wait_dma2 semaphore(%run_scoped3A_56 : memref<!tpu.dma_semaphore, #tpu.memory_space<semaphore_mem>>) src(%dma_wait3A_72 : memref<632x80xf32, #tpu.memory_space<vmem_shared>>) dst(%dma_wait3A_70 : memref<632x80xf32, #tpu.memory_space<hbm>>)
      tpu.yield
    }) : () -> ()
    return
  }
}

module attributes {stable_mosaic.version = 14 : i64} {
  func.func @_layer1_body(%arg0: i32, %arg1: memref<2x632x80xf32, #tpu.memory_space<vmem>>, %arg2: memref<128x128xf32, #tpu.memory_space<vmem>>, %arg3: memref<128xf32, #tpu.memory_space<vmem>>, %arg4: memref<128x48xf32, #tpu.memory_space<vmem>>, %arg5: memref<632x48xf32, #tpu.memory_space<vmem>>, %arg6: memref<632x8xf32, #tpu.memory_space<vmem>>) attributes {dimension_semantics = [#tpu.dimension_semantics<arbitrary>], iteration_bounds = array<i64: 16>, scalar_prefetch = 0 : i64, scratch_operands = 0 : i64, tpu.core_type = #tpu.core_type<tc>, window_params = [{transform_indices = @transform_0, window_bounds = array<i64: 2, 632, 80>}, {pipeline_mode = #tpu.pipeline_mode<synchronous>, transform_indices = @transform_1, window_bounds = array<i64: 128, 128>}, {pipeline_mode = #tpu.pipeline_mode<synchronous>, transform_indices = @transform_2, window_bounds = array<i64: 128>}, {pipeline_mode = #tpu.pipeline_mode<synchronous>, transform_indices = @transform_3, window_bounds = array<i64: 128, 48>}, {transform_indices = @transform_4, window_bounds = array<i64: 632, 48>}, {transform_indices = @transform_5, window_bounds = array<i64: 632, 8>}]} {
    %get3A = arith.constant 0 : index
    %get3A_0 = arith.constant 0 : index
    %get3A_1 = arith.constant 0 : index
    %get3A_2 = vector.load %arg1[%get3A, %get3A_0, %get3A_1] : memref<2x632x80xf32, #tpu.memory_space<vmem>>, vector<1x632x64xf32>
    %get3A_3 = vector.shape_cast %get3A_2 : vector<1x632x64xf32> to vector<632x64xf32>
    %get3A_4 = arith.constant 1 : index
    %get3A_5 = arith.constant 0 : index
    %get3A_6 = arith.constant 0 : index
    %get3A_7 = vector.load %arg1[%get3A_4, %get3A_5, %get3A_6] : memref<2x632x80xf32, #tpu.memory_space<vmem>>, vector<1x632x64xf32>
    %get3A_8 = vector.shape_cast %get3A_7 : vector<1x632x64xf32> to vector<632x64xf32>
    %concatenate3A = tpu.concatenate %get3A_3, %get3A_8 in 1 : vector<632x64xf32>, vector<632x64xf32> -> vector<632x128xf32>
    %get3A_9 = arith.constant 0 : index
    %get3A_10 = arith.constant 0 : index
    %get3A_11 = arith.constant 64 : index
    %get3A_12 = vector.load %arg1[%get3A_9, %get3A_10, %get3A_11] : memref<2x632x80xf32, #tpu.memory_space<vmem>>, vector<1x632x1xf32>
    %get3A_13 = vector.shape_cast %get3A_12 : vector<1x632x1xf32> to vector<632x1xf32>
    %max3A = arith.constant 1.000000e+00 : f32
    %max3A_14 = vector.broadcast %max3A : f32 to vector<632x1xf32>
    %max3A_15 = arith.maximumf %get3A_13, %max3A_14 : vector<632x1xf32>
    %div3A = arith.constant 1.000000e+00 : f32
    %div3A_16 = vector.broadcast %div3A : f32 to vector<632x1xf32>
    %div3A_17 = arith.divf %div3A_16, %max3A_15 : vector<632x1xf32>
    %mul3A = vector.broadcast %div3A_17 : vector<632x1xf32> to vector<632x128xf32>
    %mul3A_18 = arith.mulf %concatenate3A, %mul3A : vector<632x128xf32>
    %get3A_19 = arith.constant 0 : index
    %get3A_20 = arith.constant 0 : index
    %get3A_21 = vector.load %arg2[%get3A_19, %get3A_20] : memref<128x128xf32, #tpu.memory_space<vmem>>, vector<128x128xf32>
    %dot_general3A = arith.constant dense<0.000000e+00> : vector<632x128xf32>
    %dot_general3A_22 = tpu.matmul %mul3A_18, %get3A_21, %dot_general3A {dimension_numbers = #tpu.dot_dimension_numbers<[1], [0], [0], [1], [0, 0, 1, 1], [], []>, transpose_lhs_hint = false} : vector<632x128xf32>, vector<128x128xf32>, vector<632x128xf32> -> vector<632x128xf32>
    %get3A_23 = arith.constant 0 : index
    %get3A_24 = vector.load %arg3[%get3A_23] : memref<128xf32, #tpu.memory_space<vmem>>, vector<128xf32>
    %broadcast_in_dim3A = vector.shape_cast %get3A_24 : vector<128xf32> to vector<1x128xf32>
    %add3A = vector.broadcast %broadcast_in_dim3A : vector<1x128xf32> to vector<632x128xf32>
    %add3A_25 = arith.addf %dot_general3A_22, %add3A : vector<632x128xf32>
    %max3A_26 = arith.constant 0.000000e+00 : f32
    %max3A_27 = vector.broadcast %max3A_26 : f32 to vector<632x128xf32>
    %max3A_28 = arith.maximumf %add3A_25, %max3A_27 : vector<632x128xf32>
    %get3A_29 = arith.constant 0 : index
    %get3A_30 = arith.constant 0 : index
    %get3A_31 = vector.load %arg4[%get3A_29, %get3A_30] : memref<128x48xf32, #tpu.memory_space<vmem>>, vector<128x48xf32>
    %dot_general3A_32 = arith.constant dense<0.000000e+00> : vector<632x48xf32>
    %dot_general3A_33 = tpu.matmul %max3A_28, %get3A_31, %dot_general3A_32 {dimension_numbers = #tpu.dot_dimension_numbers<[1], [0], [0], [1], [0, 0, 1, 1], [], []>, transpose_lhs_hint = false} : vector<632x128xf32>, vector<128x48xf32>, vector<632x48xf32> -> vector<632x48xf32>
    %swap3A = arith.constant 0 : index
    %swap3A_34 = arith.constant 0 : index
    %swap3A_35 = vector.load %arg5[%swap3A, %swap3A_34] : memref<632x48xf32, #tpu.memory_space<vmem>>, vector<632x48xf32>
    tpu.vector_store %arg5[%swap3A, %swap3A_34], %dot_general3A_33 {strides = array<i32>} : memref<632x48xf32, #tpu.memory_space<vmem>>, vector<632x48xf32>,
    %broadcast_in_dim3A_36 = vector.shape_cast %div3A_17 : vector<632x1xf32> to vector<632x1xf32>
    %broadcast_in_dim3A_37 = vector.broadcast %broadcast_in_dim3A_36 : vector<632x1xf32> to vector<632x8xf32>
    %swap3A_38 = arith.constant 0 : index
    %swap3A_39 = arith.constant 0 : index
    %swap3A_40 = vector.load %arg6[%swap3A_38, %swap3A_39] : memref<632x8xf32, #tpu.memory_space<vmem>>, vector<632x8xf32>
    tpu.vector_store %arg6[%swap3A_38, %swap3A_39], %broadcast_in_dim3A_37 {strides = array<i32>} : memref<632x8xf32, #tpu.memory_space<vmem>>, vector<632x8xf32>,
    return
  }
  func.func @transform_0(%arg0: i32) -> (i32, i32, i32) {
    %c0_i32 = arith.constant 0 : i32
    %c0_i32_0 = arith.constant 0 : i32
    %c0_i32_1 = arith.constant 0 : i32
    return %c0_i32, %arg0, %c0_i32_0 : i32, i32, i32
  }
  func.func @transform_1(%arg0: i32) -> (i32, i32) {
    %c0_i32 = arith.constant 0 : i32
    %c0_i32_0 = arith.constant 0 : i32
    %c0_i32_1 = arith.constant 0 : i32
    return %c0_i32, %c0_i32_0 : i32, i32
  }
  func.func @transform_2(%arg0: i32) -> i32 {
    %c0_i32 = arith.constant 0 : i32
    %c0_i32_0 = arith.constant 0 : i32
    return %c0_i32 : i32
  }
  func.func @transform_3(%arg0: i32) -> (i32, i32) {
    %c0_i32 = arith.constant 0 : i32
    %c0_i32_0 = arith.constant 0 : i32
    %c0_i32_1 = arith.constant 0 : i32
    return %c0_i32, %c0_i32_0 : i32, i32
  }
  func.func @transform_4(%arg0: i32) -> (i32, i32) {
    %c0_i32 = arith.constant 0 : i32
    %c0_i32_0 = arith.constant 0 : i32
    return %arg0, %c0_i32 : i32, i32
  }
  func.func @transform_5(%arg0: i32) -> (i32, i32) {
    %c0_i32 = arith.constant 0 : i32
    %c0_i32_0 = arith.constant 0 : i32
    return %arg0, %c0_i32 : i32, i32
  }
}

module attributes {stable_mosaic.version = 14 : i64} {
  func.func @_layer2_body(%arg0: i32, %arg1: memref<2x1000x48xf32, #tpu.memory_space<vmem>>, %arg2: memref<1000x8xf32, #tpu.memory_space<vmem>>, %arg3: memref<40xf32, #tpu.memory_space<vmem>>, %arg4: memref<1000x40xf32, #tpu.memory_space<vmem>>) attributes {dimension_semantics = [#tpu.dimension_semantics<arbitrary>], iteration_bounds = array<i64: 10>, scalar_prefetch = 0 : i64, scratch_operands = 0 : i64, tpu.core_type = #tpu.core_type<tc>, window_params = [{transform_indices = @transform_0, window_bounds = array<i64: 2, 1000, 48>}, {transform_indices = @transform_1, window_bounds = array<i64: 1000, 8>}, {pipeline_mode = #tpu.pipeline_mode<synchronous>, transform_indices = @transform_2, window_bounds = array<i64: 40>}, {transform_indices = @transform_3, window_bounds = array<i64: 1000, 40>}]} {
    %get3A = arith.constant 0 : index
    %get3A_0 = arith.constant 0 : index
    %get3A_1 = arith.constant 0 : index
    %get3A_2 = vector.load %arg1[%get3A, %get3A_0, %get3A_1] : memref<2x1000x48xf32, #tpu.memory_space<vmem>>, vector<1x1000x48xf32>
    %get3A_3 = vector.shape_cast %get3A_2 : vector<1x1000x48xf32> to vector<1000x48xf32>
    %get3A_4 = arith.constant 1 : index
    %get3A_5 = arith.constant 0 : index
    %get3A_6 = arith.constant 0 : index
    %get3A_7 = vector.load %arg1[%get3A_4, %get3A_5, %get3A_6] : memref<2x1000x48xf32, #tpu.memory_space<vmem>>, vector<1x1000x48xf32>
    %get3A_8 = vector.shape_cast %get3A_7 : vector<1x1000x48xf32> to vector<1000x48xf32>
    %add3A = arith.addf %get3A_3, %get3A_8 : vector<1000x48xf32>
    %get3A_9 = arith.constant 0 : index
    %get3A_10 = arith.constant 0 : index
    %get3A_11 = vector.load %arg2[%get3A_9, %get3A_10] : memref<1000x8xf32, #tpu.memory_space<vmem>>, vector<1000x1xf32>
    %mul3A = vector.broadcast %get3A_11 : vector<1000x1xf32> to vector<1000x48xf32>
    %mul3A_12 = arith.mulf %add3A, %mul3A : vector<1000x48xf32>
    %slice3A = vector.extract_strided_slice %mul3A_12 {offsets = [0, 0], sizes = [1000, 40], strides = [1, 1]} : vector<1000x48xf32> to vector<1000x40xf32>
    %get3A_13 = arith.constant 0 : index
    %get3A_14 = vector.load %arg3[%get3A_13] : memref<40xf32, #tpu.memory_space<vmem>>, vector<40xf32>
    %broadcast_in_dim3A = vector.shape_cast %get3A_14 : vector<40xf32> to vector<1x40xf32>
    %add3A_15 = vector.broadcast %broadcast_in_dim3A : vector<1x40xf32> to vector<1000x40xf32>
    %add3A_16 = arith.addf %slice3A, %add3A_15 : vector<1000x40xf32>
    %swap3A = arith.constant 0 : index
    %swap3A_17 = arith.constant 0 : index
    %swap3A_18 = vector.load %arg4[%swap3A, %swap3A_17] : memref<1000x40xf32, #tpu.memory_space<vmem>>, vector<1000x40xf32>
    tpu.vector_store %arg4[%swap3A, %swap3A_17], %add3A_16 {strides = array<i32>} : memref<1000x40xf32, #tpu.memory_space<vmem>>, vector<1000x40xf32>,
    return
  }
  func.func @transform_0(%arg0: i32) -> (i32, i32, i32) {
    %c0_i32 = arith.constant 0 : i32
    %c0_i32_0 = arith.constant 0 : i32
    %c0_i32_1 = arith.constant 0 : i32
    return %c0_i32, %arg0, %c0_i32_0 : i32, i32, i32
  }
  func.func @transform_1(%arg0: i32) -> (i32, i32) {
    %c0_i32 = arith.constant 0 : i32
    %c0_i32_0 = arith.constant 0 : i32
    return %arg0, %c0_i32 : i32, i32
  }
  func.func @transform_2(%arg0: i32) -> i32 {
    %c0_i32 = arith.constant 0 : i32
    %c0_i32_0 = arith.constant 0 : i32
    return %c0_i32 : i32
  }
  func.func @transform_3(%arg0: i32) -> (i32, i32) {
    %c0_i32 = arith.constant 0 : i32
    %c0_i32_0 = arith.constant 0 : i32
    return %arg0, %c0_i32 : i32, i32
  }
}

</mosaic_0001>

<sc_bundles>
// kernel: kernel.6.cloned.1.call-start
scs
__scs_entry_jumppad:
0x0: {  	(pc) =	sbr.rel $0x88, $3  }
0x1: {  	(tag) =	ssettag $0x0;
	lr =	simm.s32 $0x1  }
0x2: {  	[smem:$0x3F9B] =	sst lr;
	_ =	strace $0xD0000000  }
0x3: {  	_ = 	snop  }
0x4: {  	_ = 	snop  }
0x5: {  	_ = 	snop  }
0x6: {  	_ = 	snop  }
0x7: {  	_ = 	snop  }
__scs_overlays_trampoline_lowered:
0x8: {  	[smem:$0x3FAA] =	sst s0  }
0x9: {  	[smem:$0x3FAB] =	sst s1  }
0xa: {  	[smem:$0x3FAC] =	sst s2  }
0xb: {  	[smem:$0x3FAD] =	sst s3  }
0xc: {  	[smem:$0x3FAE] =	sst s4  }
0xd: {  	[smem:$0x3FAF] =	sst s5  }
0xe: {  	[smem:$0x3FB0] =	sst s6  }
0xf: {  	[smem:$0x3FB1] =	sst s7  }
0x10: {  	[smem:$0x3FB2] =	sst s8  }
0x11: {  	[smem:$0x3FB3] =	sst s9;
	s0 =	simm.s32 @!p0 $0x0  }
0x12: {  	s1 =	sld [smem:$0x3F99];
	s0 =	simm.s32 @p0 $0x1  }
0x13: {  	[smem:$0x3FB4] =	sst s0;
	s0 =	simm.s32 @!p1 $0x0  }
0x14: {  	s2 =	sld [smem:$0x3F98];
	s0 =	simm.s32 @p1 $0x1  }
0x15: {  	[smem:$0x3FB5] =	sst s0;
	s0 =	simm.s32 @!p2 $0x0  }
0x16: {  	s3 =	sld [smem:$0x3FDB];
	s0 =	simm.s32 @p2 $0x1  }
0x17: {  	s4 =	simm.s32 $0x1BF5;
	[smem:$0x3FB7] =	sst s0  }
0x18: {  	s0 =	sld [smem:$0x3F9A];
	_ =	swait.ge [sflag:s4], $0x0  }
0x19: {  	s7 =	sld [smem:$0x3F9B]  }
0x1a: {  	s8 =	sadd.s32 $0xFFFFE003, lr  }
0x1b: {  	s9 =	sadd.s32 $0xFFFFFEF7, lr;
	s5 =	simm.s32 $0xFFFFFFFF;
	p2 =	slt.u32 s8, $0xFFFFF086  }
0x1c: {  	p1 =	slt.u32 s9, $0xF7A;
	s5 =	simm.s32 @!p2 $0x0  }
0x1d: {  	s5 =	simm.s32 @p1 $0x1;
	p0 =	seq.s32 s7, s2  }
0x1e: {  	s7 =	smul.u32 @!p0 $0xF7A, s2;
	p2 =	seq.s32 @!p0 s5, $0x0  }
0x1f: {  	s9 =	smul.u32 $0xF7A, s1;
	s8 =	simm.s32 @!p0 $0x1BF5;
	p2 =	por !p2, p0  }
0x20: {  	[sflag:s8] =	ssyncset.s32 @!p0 $0xFFFFF086;
	s6 =	sadd.s32 @!p0 s3, s7;
	s7 =	simm.s32 @!p0 $0x108  }
0x21: {  	s3 =	sadd.s32 s3, s9;
	s6 =	sadd.s32 @!p0 $0x88, s6;
	s7 =	simm.s32 @p2 $0x1082  }
0x22: {  	[simem:s7], [sflag:s8] =	dma.local @!p0 [hbm:s6], $0xF7A  }
0x23: {  	s9 =	sor.u32 $0xD0000000, s2;
	s6 =	simm.s32 $0x108;
	_ =	swait.ge @!p0 [sflag:s8], $0x0  }
0x24: {  	s3 =	sadd.s32 $0x88, s3;
	s6 =	simm.s32 @!p1 $0x1082;
	[sflag:s4] =	ssyncset.s32 $0xFFFFF086  }
0x25: {  	[simem:s6], [sflag:s4] =	dma.local [hbm:s3], $0xF7A  }
0x26: {  	[smem:$0x3F9B] =	sst s1;
	(tag) =	ssettag s2;
	_ =	strace s9  }
0x27: {  	s1 =	sld [smem:$0x3FAB]  }
0x28: {  	s2 =	sld [smem:$0x3FAC]  }
0x29: {  	s4 =	sld [smem:$0x3FAE]  }
0x2a: {  	p0 =	seq.s32 s5, $0x0;
	s5 =	sld [smem:$0x3FAF]  }
0x2b: {  	s6 =	sld [smem:$0x3FB0]  }
0x2c: {  	s7 =	sld [smem:$0x3FB1]  }
0x2d: {  	s3 =	simm.s32 $0x108;
	s8 =	sld [smem:$0x3FB2]  }
0x2e: {  	s3 =	simm.s32 @!p0 $0x1082;
	s9 =	sld [smem:$0x3FB3]  }
0x2f: {  	lr =	sadd.s32 s0, s3;
	s0 =	sld [smem:$0x3FAA]  }
0x30: {  	s3 =	sld [smem:$0x3FAD]  }
0x31: {  	[smem:$0x3FB6] =	sst s10  }
0x32: {  	s10 =	sld [smem:$0x3FB4];
	_ =	sdelay $0x3  }
0x33: {  	p0 =	seq.s32 s10, $0x1;
	s10 =	sld [smem:$0x3FB6];
	_ =	sdelay $0x3  }
0x34: {  	[smem:$0x3FB6] =	sst s10  }
0x35: {  	s10 =	sld [smem:$0x3FB5];
	_ =	sdelay $0x3  }
0x36: {  	p1 =	seq.s32 s10, $0x1;
	s10 =	sld [smem:$0x3FB6];
	_ =	sdelay $0x3  }
0x37: {  	[smem:$0x3FB6] =	sst s10  }
0x38: {  	s10 =	sld [smem:$0x3FB7]  }
0x39: {  	_ = 	snop;
	(pc) =	sbr.ind lr, $3  }
0x3a: {  	_ = 	snop  }
0x3b: {  	_ = 	snop  }
0x3c: {  	p2 =	seq.s32 s10, $0x1;
	s10 =	sld [smem:$0x3FB6]  }
0x3d: {  	_ =	shalt  }
0x3e: {  	_ =	shalt  }
0x3f: {  	_ =	shalt  }
0x40: {  	_ =	shalt  }
0x41: {  	_ =	shalt  }
0x42: {  	_ =	shalt  }
0x43: {  	_ =	shalt  }
0x44: {  	_ =	shalt  }
0x45: {  	_ =	shalt  }
0x46: {  	_ =	shalt  }
0x47: {  	_ =	shalt  }
0x48: {  	_ =	shalt  }
0x49: {  	_ =	shalt  }
0x4a: {  	_ =	shalt  }
0x4b: {  	_ =	shalt  }
0x4c: {  	_ =	shalt  }
0x4d: {  	_ =	shalt  }
0x4e: {  	_ =	shalt  }
0x4f: {  	_ =	shalt  }
0x50: {  	_ =	shalt  }
0x51: {  	_ =	shalt  }
0x52: {  	_ =	shalt  }
0x53: {  	_ =	shalt  }
0x54: {  	_ =	shalt  }
0x55: {  	_ =	shalt  }
0x56: {  	_ =	shalt  }
0x57: {  	_ =	shalt  }
0x58: {  	_ =	shalt  }
0x59: {  	_ =	shalt  }
0x5a: {  	_ =	shalt  }
0x5b: {  	_ =	shalt  }
0x5c: {  	_ =	shalt  }
0x5d: {  	_ =	shalt  }
0x5e: {  	_ =	shalt  }
0x5f: {  	_ =	shalt  }
0x60: {  	_ =	shalt  }
0x61: {  	_ =	shalt  }
0x62: {  	_ =	shalt  }
0x63: {  	_ =	shalt  }
0x64: {  	_ =	shalt  }
0x65: {  	_ =	shalt  }
0x66: {  	_ =	shalt  }
0x67: {  	_ =	shalt  }
0x68: {  	_ =	shalt  }
0x69: {  	_ =	shalt  }
0x6a: {  	_ =	shalt  }
0x6b: {  	_ =	shalt  }
0x6c: {  	_ =	shalt  }
0x6d: {  	_ =	shalt  }
0x6e: {  	_ =	shalt  }
0x6f: {  	_ =	shalt  }
0x70: {  	_ =	shalt  }
0x71: {  	_ =	shalt  }
0x72: {  	_ =	shalt  }
0x73: {  	_ =	shalt  }
0x74: {  	_ =	shalt  }
0x75: {  	_ =	shalt  }
0x76: {  	_ =	shalt  }
0x77: {  	_ =	shalt  }
0x78: {  	_ =	shalt  }
0x79: {  	_ =	shalt  }
0x7a: {  	_ =	shalt  }
0x7b: {  	_ =	shalt  }
0x7c: {  	_ =	shalt  }
0x7d: {  	_ =	shalt  }
0x7e: {  	_ =	shalt  }
0x7f: {  	_ =	shalt  }
0x80: {  	_ =	shalt  }
0x81: {  	_ =	shalt  }
0x82: {  	_ =	shalt  }
0x83: {  	_ =	shalt  }
0x84: {  	_ =	shalt  }
0x85: {  	_ =	shalt  }
0x86: {  	_ =	shalt  }
0x87: {  	_ =	shalt  }
.Lfunc_end0:
.L_simem_size_0:
called_computation_lowered:
.L_overlay_start_0:
0x88: {  	s2 =	sld [smem:$0x3FD9]  }
0x89: {  	s3 =	sld [smem:$0x3FFE];
	_ =	sdelay $0x1  }
0x8a: {  	s1 =	srdreg.scid  }
0x8b: {  	s0 =	sand.u32 $0x1, s1  }
0x8c: {  	s16 =	sshll.u32 s0, $0xA;
	s2 =	sadd.s32 s3, s2  }
0x8d: {  	s2 =	sadd.s32 s2, s16  }
0x8e: {  	[smem:$0x3FC2] =	sst s2  }
0x8f: {  	_ = 	snop  }
0x90: {  	(tm) =	ssettm $0x1  }
0x91: {  	s17 =	sld [smem:$0x3FFB];
	_ =	sdelay $0x3  }
0x92: {  	_ =	strace s17  }
0x93: {  	s2 =	sld [smem:$0x3FFC];
	_ =	sdelay $0x3  }
0x94: {  	_ =	strace s2  }
0x95: {  	s2 =	sld [smem:$0x3FFD];
	_ =	sdelay $0x3  }
0x96: {  	_ =	strace s2  }
0x97: {  	_ =	strace $0x8FFFFFFF  }
0x98: {  	s18 =	sld [smem:$0x3FDB];
	_ =	sdelay $0x1  }
0x99: {  	s19 =	simm.s32 $_scs_section_size  }
0x9a: {  	s4 =	simm.s32 $_size__tile_overlayer_lowered;
	s5 =	simm.s32 $_tile_overlayer_lowered  }
0x9b: {  	s22 =	simm.s32 $0x1BFF;
	s21 =	sshll.u32 s5, $0x1;
	s2 =	sadd.s32 s19, s18  }
0x9c: {  	s6 =	simm.s32 $0x0;
	s20 =	sshll.u32 s4, $0x1;
	s4 =	sadd.s32 s21, s2  }
0x9d: {  	[timem:s6], [sflag:s22] =	dma.local [hbm:s4], s20  }
0x9e: {  	_ =	swait.ge [sflag:s22], s20  }
0x9f: {  	s3 =	ssub.s32 $0x0, s20;
	[sflag:s22] =	ssyncset.done $0x0  }
0xa0: {  	[sflag:s22] =	ssyncadd.s32 s3;
	_ =	sdelay $0x1  }
0xa1: {  	s23 =	simm.s32 $0x1B8B  }
0xa2: {  	_ =	swait.ge [sflag:s23], $0x1  }
0xa3: {  	[sflag:s23] =	ssyncset.done $0x0  }
0xa4: {  	s25 =	simm.s32 $0x1B8E;
	s24 =	sld [smem:$0x3FFE];
	[sflag:s23] =	ssyncadd.s32 $0xFFFFFFFF  }
0xa5: {  	s26 =	simm.s32 $execute0_lowered;
	[smem:$0x3FD2] =	sst s25  }
0xa6: {  	s4 =	sshll.u32 s26, $0x1;
	_ =	strace $0x80000046;
	[dreg:$0x1] =	wrdreg $0xFFFFFFFF  }
0xa7: {  	s28 =	simm.s32 $_size_execute0_lowered;
	s2 =	sadd.s32 s2, s4;
	[dreg:$0x0] =	wrdreg $0x0  }
0xa8: {  	s4 =	sshll.u32 s28, $0x1;
	[dreg:$0x2] =	wrdreg s2  }
0xa9: {  	[dreg:$0x3] =	wrdreg s4  }
0xaa: {  	[dreg:$0x4] =	wrdreg $0xC0  }
0xab: {  	_ =	task [dreg:s6], $0x5FFFF  }
0xac: {  	[dreg:$0x1] =	wrdreg $0xFFFFFFFF  }
0xad: {  	[dreg:$0x0] =	wrdreg $0x60  }
0xae: {  	[dreg:$0x2] =	wrdreg s24  }
0xaf: {  	[dreg:$0x3] =	wrdreg $0x136D00  }
0xb0: {  	[dreg:$0x4] =	wrdreg $0x71500  }
0xb1: {  	[dreg:$0x5] =	wrdreg $0x9  }
0xb2: {  	_ =	task.clear_ibuf [dreg:s6], $0x6FFFF;
	_ =	strace $0x90000046  }
0xb3: {  	s29 =	simm.s32 $0x9;
	_ =	strace $0x80000048  }
0xb4: {  	_ =	swait.ge [sflag:s29], $0x1  }
0xb5: {  	[sflag:s29] =	ssyncadd.s32 $0xFFFFFFFF  }
0xb6: {  	_ =	strace $0x90000048  }
0xb7: {  	_ =	sfence  }
0xb8: {  	s30 =	sld [smem:$0x0];
	_ =	sdelay $0x2  }
0xb9: {  	s31 =	sshll.u32 s1, $0xD;
	s1 =	sshrl.u32 s1, $0x2  }
0xba: {  	s3 =	sand.u32 $0x4000, s31;
	s1 =	sadd.s32 s1, s30  }
0xbb: {  	s0 =	sor.u32 s3, s0;
	s1 =	sshll.u32 s1, $0x11  }
0xbc: {  	s0 =	sor.u32 s1, s0  }
0xbd: {  	s0 =	sadd.s32 $0x8F2B, s0  }
0xbe: {  	[sflag:s0] =	ssyncadd.remote.s32 $0x1  }
0xbf: {  	_ =	sfence.sel $0xFFFF  }
0xc0: {  	[dreg:$0x0] =	wrdreg $0xFFFFFFFF;
	(pc) =	sbr.abs _section_cstart, $3  }
0xc1: {  	[dreg:$0x1] =	wrdreg $0xFFFFFFFF  }
0xc2: {  	_ =	task.clear_ibuf [dreg:s6], $0x2FFFF;
	_ =	strace $0x9FFFFFFF  }
0xc3: {  	(tm) =	ssettm $0x7FFFFFFF  }
tec
execute0_lowered:
.L_overlay_start_1:
0x0: {  	(tag) =	ssettag $0x1  }
0x1: {  	s0 =	rddreg [dreg:$0x0]  }
0x2: {  	s1 =	rddreg [dreg:$0x1]  }
0x3: {  	s2 =	rddreg [dreg:$0x2];
	s3 =	simm.s32 $0x0  }
0x4: {  	s4 =	srdreg.scid;
	s23 =	stileid.u32;
	s17 =	simm.s32 $0x38  }
0x5: {  	s18 =	simm.s32 $0x4E50;
	s19 =	simm.s32 $0x5FD0;
	s20 =	simm.s32 $0x1  }
0x6: {  	s21 =	simm.s32 $0x2;
	s22 =	simm.s32 $0x3;
	s28 =	simm.s32 $0x26F0  }
0x7: {  	s29 =	simm.s32 $0x4E18;
	s30 =	simm.s32 $0x0;
	[smem:$0x7FF] =	sst s3  }
0x8: {  	s6 =	sand.u32 $0x1, s4;
	s9 =	sadd.s32 $0x32200, s0;
	s24 =	smul.u32 $0xC580, s23  }
0x9: {  	s10 =	sadd.s32 $0x3C000, s0;
	s5 =	sadd.s32 $0x45E00, s0;
	s12 =	smul.u32 $0x4E50, s23  }
0xa: {  	s11 =	sshll.u32 s23, $0x6;
	s7 =	smul.u32 $0x18B00, s6;
	s6 =	ssub.s32 $0x2, s6  }
0xb: {  	s23 =	simm.s32 $0x4;
	_ =	strace $0x80000047;
	s8 =	sshrl.u32 s6, $0x1  }
0xc: {  	s14 =	sadd.s32 s24, s1;
	s15 =	sadd.s32 s24, s2;
	s25 =	sadd.s32 $0x2728, s12  }
0xd: {  	s24 =	sshrl.u32 s24, $0x3;
	s26 =	sshrl.u32 s12, $0x3;
	s0 =	sadd.s32 s7, s0  }
0xe: {  	s13 =	ssub.s32 s6, s8;
	s6 =	sor.u32 $0x1C05, s11;
	s31 =	sshrl.u32 s25, $0x3  }
0xf: {  	s7 =	sadd.s32 s9, s26;
	s8 =	sadd.s32 s10, s26;
	s12 =	sshrl.u32 s14, $0x3  }
0x10: {  	s15 =	sshrl.u32 s15, $0x3;
	s25 =	simm.s32 $0x4DA8;
	s26 =	simm.s32 $0x4DE0  }
0x11: {  	s16 =	sadd.s32 $0xC00, s0;
	s9 =	sadd.s32 s9, s31;
	s10 =	sadd.s32 s10, s31  }
0x12: {  	s0 =	sadd.s32 $0x47800, s0;
	s11 =	smax.u32 s13, $0x1;
	s13 =	simm.s32 $0x5  }
0x13: {  	s14 =	sadd.s32 s24, s16;
	s16 =	simm.s32 $0x2728;
	s24 =	sadd.s32 s24, s0  }
.LBB2_1:
0x14: {  	[spmem:s12], [sflag:s6] =	dma.local [hbm:s5], $0x18B0  }
0x15: {  	_ =	swait.ge [sflag:s13], $0x18B0  }
0x16: {  	[sflag:s13] =	ssyncset.done $0x0  }
0x17: {  	[sflag:s13] =	ssyncadd.s32 $0xFFFFE750  }
0x18: {  	[spmem:s15], [sflag:s6] =	dma.local [hbm:s14], $0x18B0  }
0x19: {  	_ =	swait.ge [sflag:s13], $0x18B0  }
0x1a: {  	[sflag:s13] =	ssyncset.done $0x0  }
0x1b: {  	[sflag:s13] =	ssyncadd.s32 $0xFFFFE750  }
0x1c: {  	[tilespmem:s3], [sflag:$0x5] =	stream.linear.gather [hbm4b:s7+s3], $0x2728, $0x38;
	[tilespmem:$0x1FC50] =	vst v63  }
0x1d: {  	_ =	swait.ge [sflag:s13], $0x2728  }
0x1e: {  	[sflag:s13] =	ssyncset.done $0x0  }
0x1f: {  	[sflag:s13] =	ssyncadd.s32 $0xFFFFD8D8  }
0x20: {  	[tilespmem:s16], [sflag:$0x5] =	stream.linear.gather [hbm4b:s8+s3], $0x2728, $0x38;
	[tilespmem:$0x1FC50] =	vst v63  }
0x21: {  	_ =	swait.ge [sflag:s13], $0x2728  }
0x22: {  	[sflag:s13] =	ssyncset.done $0x0  }
0x23: {  	[sflag:s13] =	ssyncadd.s32 $0xFFFFD8D8  }
0x24: {  	[bflag:$0x0] =	sbarrier.arrive $0xFFFF  }
0x25: {  	[tilespmem:s18], [sflag:$0x1] =	stream.indirect.gather [spmem:s2], $0x50, s3, s17, $0xb8;
	[tilespmem:$0x1FC50] =	vst v63  }
0x26: {  	_ = 	snop  }
0x27: {  	[tilespmem:s19], [sflag:$0x2] =	stream.indirect.gather [spmem:s2], $0x50, s17, s17, $0xb8;
	[tilespmem:$0x1FC50] =	vst v63  }
0x28: {  	_ =	swait.ge [sflag:s20], $0x1180  }
0x29: {  	[sflag:s20] =	ssyncset.done $0x0  }
0x2a: {  	s0 =	simm.s32 $0x2728;
	[sflag:s20] =	ssyncadd.s32 $0xFFFFEE80  }
0x2b: {  	[spmem:s1] =	stream.indirect.scatter.add.f32 [tilespmem:s18], [sflag:$0x3], $0x50, s0, s17, $0xb8;
	[tilespmem:$0x1FC50] =	vst v63  }
0x2c: {  	_ =	swait.ge [sflag:s21], $0x1180  }
0x2d: {  	[sflag:s21] =	ssyncset.done $0x0  }
0x2e: {  	s4 =	simm.s32 $0x2760;
	[sflag:s21] =	ssyncadd.s32 $0xFFFFEE80  }
0x2f: {  	[spmem:s1] =	stream.indirect.scatter.add.f32 [tilespmem:s19], [sflag:$0x4], $0x50, s4, s17, $0xb8;
	[tilespmem:$0x1FC50] =	vst v63  }
0x30: {  	_ =	swait.ge [sflag:s22], $0x1180  }
0x31: {  	[sflag:s22] =	ssyncset.done $0x0  }
0x32: {  	s4 =	simm.s32 $0x70;
	[sflag:s22] =	ssyncadd.s32 $0xFFFFEE80  }
0x33: {  	[tilespmem:s18], [sflag:$0x1] =	stream.indirect.gather [spmem:s2], $0x50, s4, s17, $0xb8;
	[tilespmem:$0x1FC50] =	vst v63  }
0x34: {  	_ =	swait.ge [sflag:s23], $0x1180  }
0x35: {  	[sflag:s23] =	ssyncset.done $0x0  }
0x36: {  	s31 =	simm.s32 $0x1C0;
	s0 =	simm.s32 $0xA8;
	[sflag:s23] =	ssyncadd.s32 $0xFFFFEE80  }
.LBB2_2:
0x37: {  	[tilespmem:s19], [sflag:$0x2] =	stream.indirect.gather [spmem:s2], $0x50, s0, s17, $0xb8;
	[tilespmem:$0x1FC50] =	vst v63  }
0x38: {  	s0 =	smov.u32 s31  }
0x39: {  	p0 =	sne.s32 s31, $0x9840;
	s31 =	sadd.s32 $0x1C0, s31;
	_ =	swait.ge [sflag:s20], $0x1180  }
0x3a: {  	s0 =	sshra.s32 s0, $0x2;
	[sflag:s20] =	ssyncset.done $0x0  }
0x3b: {  	s4 =	sadd.s32 $0x2728, s0;
	[sflag:s20] =	ssyncadd.s32 $0xFFFFEE80  }
0x3c: {  	[spmem:s1] =	stream.indirect.scatter.add.f32 [tilespmem:s18], [sflag:$0x3], $0x50, s4, s17, $0xb8;
	[tilespmem:$0x1FC50] =	vst v63  }
0x3d: {  	_ =	swait.ge [sflag:s21], $0x1180  }
0x3e: {  	[sflag:s21] =	ssyncset.done $0x0  }
0x3f: {  	s4 =	sadd.s32 $0x2760, s0;
	[sflag:s21] =	ssyncadd.s32 $0xFFFFEE80  }
0x40: {  	[spmem:s1] =	stream.indirect.scatter.add.f32 [tilespmem:s19], [sflag:$0x4], $0x50, s4, s17, $0xb8;
	[tilespmem:$0x1FC50] =	vst v63  }
0x41: {  	_ =	swait.ge [sflag:s22], $0x1180  }
0x42: {  	[sflag:s22] =	ssyncset.done $0x0  }
.Ltmp0:
0x43: {  	s4 =	sadd.s32 $0x70, s0;
	[sflag:s22] =	ssyncadd.s32 $0xFFFFEE80;
	(pc) =	sbr.rel @p0 .LBB2_2-.Ltmp0, $4  }
0x44: {  	[tilespmem:s18], [sflag:$0x1] =	stream.indirect.gather [spmem:s2], $0x50, s4, s17, $0xb8;
	[tilespmem:$0x1FC50] =	vst v63  }
0x45: {  	_ =	swait.ge [sflag:s23], $0x1180  }
0x46: {  	[sflag:s23] =	ssyncset.done $0x0  }
0x47: {  	s0 =	sadd.s32 $0xA8, s0;
	[sflag:s23] =	ssyncadd.s32 $0xFFFFEE80  }
0x48: {  	[tilespmem:s19], [sflag:$0x2] =	stream.indirect.gather [spmem:s2], $0x50, s0, s17, $0xb8;
	[tilespmem:$0x1FC50] =	vst v63  }
0x49: {  	_ =	swait.ge [sflag:s20], $0x1180  }
0x4a: {  	[sflag:s20] =	ssyncset.done $0x0  }
0x4b: {  	[sflag:s20] =	ssyncadd.s32 $0xFFFFEE80  }
0x4c: {  	[spmem:s1] =	stream.indirect.scatter.add.f32 [tilespmem:s18], [sflag:$0x3], $0x50, s25, s17, $0xb8;
	[tilespmem:$0x1FC50] =	vst v63  }
0x4d: {  	_ =	swait.ge [sflag:s21], $0x1180  }
0x4e: {  	[sflag:s21] =	ssyncset.done $0x0  }
0x4f: {  	[sflag:s21] =	ssyncadd.s32 $0xFFFFEE80  }
0x50: {  	[spmem:s1] =	stream.indirect.scatter.add.f32 [tilespmem:s19], [sflag:$0x4], $0x50, s26, s17, $0xb8;
	[tilespmem:$0x1FC50] =	vst v63  }
0x51: {  	_ =	swait.ge [sflag:s22], $0x1180  }
0x52: {  	[sflag:s22] =	ssyncset.done $0x0  }
0x53: {  	[sflag:s22] =	ssyncadd.s32 $0xFFFFEE80  }
0x54: {  	[tilespmem:s18], [sflag:$0x1] =	stream.indirect.gather [spmem:s2], $0x50, s28, s17, $0xb8;
	[tilespmem:$0x1FC50] =	vst v63  }
0x55: {  	_ =	swait.ge [sflag:s23], $0x1180  }
0x56: {  	[sflag:s23] =	ssyncset.done $0x0  }
0x57: {  	[sflag:s23] =	ssyncadd.s32 $0xFFFFEE80  }
0x58: {  	_ =	swait.ge [sflag:s20], $0x1180  }
0x59: {  	[sflag:s20] =	ssyncset.done $0x0  }
0x5a: {  	[sflag:s20] =	ssyncadd.s32 $0xFFFFEE80  }
0x5b: {  	[spmem:s1] =	stream.indirect.scatter.add.f32 [tilespmem:s18], [sflag:$0x5], $0x50, s29, s17, $0xb8;
	[tilespmem:$0x1FC50] =	vst v63  }
0x5c: {  	_ =	swait.ge [sflag:s13], $0x1180  }
0x5d: {  	[sflag:s13] =	ssyncset.done $0x0  }
0x5e: {  	s4 =	simm.s32 $0x0;
	[sflag:s13] =	ssyncadd.s32 $0xFFFFEE80  }
0x5f: {  	[tilespmem:s4], [sflag:$0x5] =	stream.linear.gather [hbm4b:s9+s4], $0x2728, $0x38;
	[tilespmem:$0x1FC50] =	vst v63  }
0x60: {  	_ =	swait.ge [sflag:s13], $0x2728  }
0x61: {  	[sflag:s13] =	ssyncset.done $0x0  }
0x62: {  	[sflag:s13] =	ssyncadd.s32 $0xFFFFD8D8  }
0x63: {  	[tilespmem:s16], [sflag:$0x5] =	stream.linear.gather [hbm4b:s10+s4], $0x2728, $0x38;
	[tilespmem:$0x1FC50] =	vst v63  }
0x64: {  	_ =	swait.ge [sflag:s13], $0x2728  }
0x65: {  	[sflag:s13] =	ssyncset.done $0x0  }
0x66: {  	[sflag:s13] =	ssyncadd.s32 $0xFFFFD8D8  }
0x67: {  	[tilespmem:s18], [sflag:$0x1] =	stream.indirect.gather [spmem:s2], $0x50, s4, s17, $0xb8;
	[tilespmem:$0x1FC50] =	vst v63  }
0x68: {  	_ = 	snop  }
0x69: {  	[tilespmem:s19], [sflag:$0x2] =	stream.indirect.gather [spmem:s2], $0x50, s17, s17, $0xb8;
	[tilespmem:$0x1FC50] =	vst v63  }
0x6a: {  	_ =	swait.ge [sflag:s20], $0x1180  }
0x6b: {  	[sflag:s20] =	ssyncset.done $0x0  }
0x6c: {  	s4 =	simm.s32 $0x2728;
	[sflag:s20] =	ssyncadd.s32 $0xFFFFEE80  }
0x6d: {  	[spmem:s1] =	stream.indirect.scatter.add.f32 [tilespmem:s18], [sflag:$0x3], $0x50, s4, s17, $0xb8;
	[tilespmem:$0x1FC50] =	vst v63  }
0x6e: {  	_ =	swait.ge [sflag:s21], $0x1180  }
0x6f: {  	[sflag:s21] =	ssyncset.done $0x0  }
0x70: {  	s4 =	simm.s32 $0x2760;
	[sflag:s21] =	ssyncadd.s32 $0xFFFFEE80  }
0x71: {  	[spmem:s1] =	stream.indirect.scatter.add.f32 [tilespmem:s19], [sflag:$0x4], $0x50, s4, s17, $0xb8;
	[tilespmem:$0x1FC50] =	vst v63  }
0x72: {  	_ =	swait.ge [sflag:s22], $0x1180  }
0x73: {  	[sflag:s22] =	ssyncset.done $0x0  }
0x74: {  	s4 =	simm.s32 $0x70;
	[sflag:s22] =	ssyncadd.s32 $0xFFFFEE80  }
0x75: {  	[tilespmem:s18], [sflag:$0x1] =	stream.indirect.gather [spmem:s2], $0x50, s4, s17, $0xb8;
	[tilespmem:$0x1FC50] =	vst v63  }
0x76: {  	_ =	swait.ge [sflag:s23], $0x1180  }
0x77: {  	[sflag:s23] =	ssyncset.done $0x0  }
0x78: {  	s31 =	simm.s32 $0x1C0;
	s0 =	simm.s32 $0xA8;
	[sflag:s23] =	ssyncadd.s32 $0xFFFFEE80  }
.LBB2_4:
0x79: {  	[tilespmem:s19], [sflag:$0x2] =	stream.indirect.gather [spmem:s2], $0x50, s0, s17, $0xb8;
	[tilespmem:$0x1FC50] =	vst v63  }
0x7a: {  	s0 =	smov.u32 s31  }
0x7b: {  	p0 =	sne.s32 s31, $0x9840;
	s31 =	sadd.s32 $0x1C0, s31;
	_ =	swait.ge [sflag:s20], $0x1180  }
0x7c: {  	s0 =	sshra.s32 s0, $0x2;
	[sflag:s20] =	ssyncset.done $0x0  }
0x7d: {  	s4 =	sadd.s32 $0x2728, s0;
	[sflag:s20] =	ssyncadd.s32 $0xFFFFEE80  }
0x7e: {  	[spmem:s1] =	stream.indirect.scatter.add.f32 [tilespmem:s18], [sflag:$0x3], $0x50, s4, s17, $0xb8;
	[tilespmem:$0x1FC50] =	vst v63  }
0x7f: {  	_ =	swait.ge [sflag:s21], $0x1180  }
0x80: {  	[sflag:s21] =	ssyncset.done $0x0  }
0x81: {  	s4 =	sadd.s32 $0x2760, s0;
	[sflag:s21] =	ssyncadd.s32 $0xFFFFEE80  }
0x82: {  	[spmem:s1] =	stream.indirect.scatter.add.f32 [tilespmem:s19], [sflag:$0x4], $0x50, s4, s17, $0xb8;
	[tilespmem:$0x1FC50] =	vst v63  }
0x83: {  	_ =	swait.ge [sflag:s22], $0x1180  }
0x84: {  	[sflag:s22] =	ssyncset.done $0x0  }
.Ltmp1:
0x85: {  	s4 =	sadd.s32 $0x70, s0;
	[sflag:s22] =	ssyncadd.s32 $0xFFFFEE80;
	(pc) =	sbr.rel @p0 .LBB2_4-.Ltmp1, $4  }
0x86: {  	[tilespmem:s18], [sflag:$0x1] =	stream.indirect.gather [spmem:s2], $0x50, s4, s17, $0xb8;
	[tilespmem:$0x1FC50] =	vst v63  }
0x87: {  	_ =	swait.ge [sflag:s23], $0x1180  }
0x88: {  	[sflag:s23] =	ssyncset.done $0x0  }
0x89: {  	s0 =	sadd.s32 $0xA8, s0;
	[sflag:s23] =	ssyncadd.s32 $0xFFFFEE80  }
0x8a: {  	[tilespmem:s19], [sflag:$0x2] =	stream.indirect.gather [spmem:s2], $0x50, s0, s17, $0xb8;
	[tilespmem:$0x1FC50] =	vst v63  }
0x8b: {  	_ =	swait.ge [sflag:s20], $0x1180  }
0x8c: {  	[sflag:s20] =	ssyncset.done $0x0  }
0x8d: {  	[sflag:s20] =	ssyncadd.s32 $0xFFFFEE80  }
0x8e: {  	[spmem:s1] =	stream.indirect.scatter.add.f32 [tilespmem:s18], [sflag:$0x3], $0x50, s25, s17, $0xb8;
	[tilespmem:$0x1FC50] =	vst v63  }
0x8f: {  	_ =	swait.ge [sflag:s21], $0x1180  }
0x90: {  	[sflag:s21] =	ssyncset.done $0x0  }
0x91: {  	[sflag:s21] =	ssyncadd.s32 $0xFFFFEE80  }
0x92: {  	[spmem:s1] =	stream.indirect.scatter.add.f32 [tilespmem:s19], [sflag:$0x4], $0x50, s26, s17, $0xb8;
	[tilespmem:$0x1FC50] =	vst v63  }
0x93: {  	_ =	swait.ge [sflag:s22], $0x1180  }
0x94: {  	[sflag:s22] =	ssyncset.done $0x0  }
0x95: {  	[sflag:s22] =	ssyncadd.s32 $0xFFFFEE80  }
0x96: {  	[tilespmem:s18], [sflag:$0x1] =	stream.indirect.gather [spmem:s2], $0x50, s28, s17, $0xb8;
	[tilespmem:$0x1FC50] =	vst v63  }
0x97: {  	_ =	swait.ge [sflag:s23], $0x1180  }
0x98: {  	[sflag:s23] =	ssyncset.done $0x0  }
0x99: {  	[sflag:s23] =	ssyncadd.s32 $0xFFFFEE80  }
0x9a: {  	_ =	swait.ge [sflag:s20], $0x1180  }
0x9b: {  	[sflag:s20] =	ssyncset.done $0x0  }
0x9c: {  	[sflag:s20] =	ssyncadd.s32 $0xFFFFEE80  }
0x9d: {  	[spmem:s1] =	stream.indirect.scatter.add.f32 [tilespmem:s18], [sflag:$0x5], $0x50, s29, s17, $0xb8;
	[tilespmem:$0x1FC50] =	vst v63  }
0x9e: {  	_ =	swait.ge [sflag:s13], $0x1180  }
0x9f: {  	s30 =	sadd.s32 $0x1, s30;
	[sflag:s13] =	ssyncset.done $0x0  }
0xa0: {  	p0 =	sne.s32 s30, s11;
	[sflag:s13] =	ssyncadd.s32 $0xFFFFEE80  }
.Ltmp2:
0xa1: {  	[bflag:$0x0] =	sbarrier.arrive $0xFFFF;
	(pc) =	sbr.rel @p0 .LBB2_1-.Ltmp2, $4  }
0xa2: {  	[hbm:s24], [sflag:s6] =	dma.local [spmem:s12], $0x18B0  }
0xa3: {  	_ =	swait.ge [sflag:s13], $0x18B0  }
0xa4: {  	[sflag:s13] =	ssyncset.done $0x0  }
0xa5: {  	[sflag:s13] =	ssyncadd.s32 $0xFFFFE750  }
0xa6: {  	_ =	sfence.sel $0x180000  }
0xa7: {  	[bflag:$0x0] =	sbarrier.arrive $0xFFFF  }
0xa8: {  	_ =	strace $0x90000047  }
0xa9: {  	s0 =	stileid.u32;
	[bflag:$0x2] =	sbarrier.arrive $0xFFFF  }
0xaa: {  	p0 =	sne.s32 s0, $0x0;
	s0 =	rddreg [dreg:$0x3]  }
0xab: {  	s0 =	sadd.s32 @!p0 $0x100000, s0  }
0xac: {  	[sflag:s0] =	ssyncadd.tile.s32 @!p0 $0x1;
	_ =	shalt  }
.Lfunc_end2:
_tile_overlayer_lowered:
.L_overlay_start_2:
0xad: {  	(tag) =	ssettag $0x2  }
0xae: {  	s0 =	rddreg [dreg:$0x0];
	s2 =	stileid.u32  }
0xaf: {  	s1 =	rddreg [dreg:$0x1];
	p0 =	sne.s32 s2, $0x0  }
0xb0: {  	s3 =	rddreg [dreg:$0x2];
	[bflag:$0x3] =	sbarrier.arrive $0xFFFF;
	s2 =	simm.s32 @!p0 $0x1C05  }
0xb1: {  	[timem:s3], [sflag:s2] =	dma.local @!p0 [hbm:s0], s1  }
0xb2: {  	s0 =	simm.s32 @!p0 $0x5  }
0xb3: {  	_ =	swait.ge @!p0 [sflag:s0], s1  }
0xb4: {  	s1 =	ssub.s32 @!p0 $0x0, s1;
	[sflag:s0] =	ssyncset.done @!p0 $0x0  }
0xb5: {  	[sflag:s0] =	ssyncadd.s32 @!p0 s1  }
0xb6: {  	[bflag:$0x3] =	sbarrier.arrive $0xFFFF  }
0xb7: {  	_ =	shalt  }

// kernel: kernel.9.cloned.1.call-start
scs
__scs_entry_jumppad:
0x0: {  	(pc) =	sbr.rel $0x88, $3  }
0x1: {  	(tag) =	ssettag $0x0;
	lr =	simm.s32 $0x1  }
0x2: {  	[smem:$0x3F9B] =	sst lr;
	_ =	strace $0xD0000000  }
0x3: {  	_ = 	snop  }
0x4: {  	_ = 	snop  }
0x5: {  	_ = 	snop  }
0x6: {  	_ = 	snop  }
0x7: {  	_ = 	snop  }
__scs_overlays_trampoline_lowered:
0x8: {  	[smem:$0x3FAA] =	sst s0  }
0x9: {  	[smem:$0x3FAB] =	sst s1  }
0xa: {  	[smem:$0x3FAC] =	sst s2  }
0xb: {  	[smem:$0x3FAD] =	sst s3  }
0xc: {  	[smem:$0x3FAE] =	sst s4  }
0xd: {  	[smem:$0x3FAF] =	sst s5  }
0xe: {  	[smem:$0x3FB0] =	sst s6  }
0xf: {  	[smem:$0x3FB1] =	sst s7  }
0x10: {  	[smem:$0x3FB2] =	sst s8  }
0x11: {  	[smem:$0x3FB3] =	sst s9;
	s0 =	simm.s32 @!p0 $0x0  }
0x12: {  	s1 =	sld [smem:$0x3F99];
	s0 =	simm.s32 @p0 $0x1  }
0x13: {  	[smem:$0x3FB4] =	sst s0;
	s0 =	simm.s32 @!p1 $0x0  }
0x14: {  	s2 =	sld [smem:$0x3F98];
	s0 =	simm.s32 @p1 $0x1  }
0x15: {  	[smem:$0x3FB5] =	sst s0;
	s0 =	simm.s32 @!p2 $0x0  }
0x16: {  	s3 =	sld [smem:$0x3FDB];
	s0 =	simm.s32 @p2 $0x1  }
0x17: {  	s4 =	simm.s32 $0x1BF5;
	[smem:$0x3FB7] =	sst s0  }
0x18: {  	s0 =	sld [smem:$0x3F9A];
	_ =	swait.ge [sflag:s4], $0x0  }
0x19: {  	s7 =	sld [smem:$0x3F9B]  }
0x1a: {  	s8 =	sadd.s32 $0xFFFFE003, lr  }
0x1b: {  	s9 =	sadd.s32 $0xFFFFFEF7, lr;
	s5 =	simm.s32 $0xFFFFFFFF;
	p2 =	slt.u32 s8, $0xFFFFF086  }
0x1c: {  	p1 =	slt.u32 s9, $0xF7A;
	s5 =	simm.s32 @!p2 $0x0  }
0x1d: {  	s5 =	simm.s32 @p1 $0x1;
	p0 =	seq.s32 s7, s2  }
0x1e: {  	s7 =	smul.u32 @!p0 $0xF7A, s2;
	p2 =	seq.s32 @!p0 s5, $0x0  }
0x1f: {  	s9 =	smul.u32 $0xF7A, s1;
	s8 =	simm.s32 @!p0 $0x1BF5;
	p2 =	por !p2, p0  }
0x20: {  	[sflag:s8] =	ssyncset.s32 @!p0 $0xFFFFF086;
	s6 =	sadd.s32 @!p0 s3, s7;
	s7 =	simm.s32 @!p0 $0x108  }
0x21: {  	s3 =	sadd.s32 s3, s9;
	s6 =	sadd.s32 @!p0 $0x88, s6;
	s7 =	simm.s32 @p2 $0x1082  }
0x22: {  	[simem:s7], [sflag:s8] =	dma.local @!p0 [hbm:s6], $0xF7A  }
0x23: {  	s9 =	sor.u32 $0xD0000000, s2;
	s6 =	simm.s32 $0x108;
	_ =	swait.ge @!p0 [sflag:s8], $0x0  }
0x24: {  	s3 =	sadd.s32 $0x88, s3;
	s6 =	simm.s32 @!p1 $0x1082;
	[sflag:s4] =	ssyncset.s32 $0xFFFFF086  }
0x25: {  	[simem:s6], [sflag:s4] =	dma.local [hbm:s3], $0xF7A  }
0x26: {  	[smem:$0x3F9B] =	sst s1;
	(tag) =	ssettag s2;
	_ =	strace s9  }
0x27: {  	s1 =	sld [smem:$0x3FAB]  }
0x28: {  	s2 =	sld [smem:$0x3FAC]  }
0x29: {  	s4 =	sld [smem:$0x3FAE]  }
0x2a: {  	p0 =	seq.s32 s5, $0x0;
	s5 =	sld [smem:$0x3FAF]  }
0x2b: {  	s6 =	sld [smem:$0x3FB0]  }
0x2c: {  	s7 =	sld [smem:$0x3FB1]  }
0x2d: {  	s3 =	simm.s32 $0x108;
	s8 =	sld [smem:$0x3FB2]  }
0x2e: {  	s3 =	simm.s32 @!p0 $0x1082;
	s9 =	sld [smem:$0x3FB3]  }
0x2f: {  	lr =	sadd.s32 s0, s3;
	s0 =	sld [smem:$0x3FAA]  }
0x30: {  	s3 =	sld [smem:$0x3FAD]  }
0x31: {  	[smem:$0x3FB6] =	sst s10  }
0x32: {  	s10 =	sld [smem:$0x3FB4];
	_ =	sdelay $0x3  }
0x33: {  	p0 =	seq.s32 s10, $0x1;
	s10 =	sld [smem:$0x3FB6];
	_ =	sdelay $0x3  }
0x34: {  	[smem:$0x3FB6] =	sst s10  }
0x35: {  	s10 =	sld [smem:$0x3FB5];
	_ =	sdelay $0x3  }
0x36: {  	p1 =	seq.s32 s10, $0x1;
	s10 =	sld [smem:$0x3FB6];
	_ =	sdelay $0x3  }
0x37: {  	[smem:$0x3FB6] =	sst s10  }
0x38: {  	s10 =	sld [smem:$0x3FB7]  }
0x39: {  	_ = 	snop;
	(pc) =	sbr.ind lr, $3  }
0x3a: {  	_ = 	snop  }
0x3b: {  	_ = 	snop  }
0x3c: {  	p2 =	seq.s32 s10, $0x1;
	s10 =	sld [smem:$0x3FB6]  }
0x3d: {  	_ =	shalt  }
0x3e: {  	_ =	shalt  }
0x3f: {  	_ =	shalt  }
0x40: {  	_ =	shalt  }
0x41: {  	_ =	shalt  }
0x42: {  	_ =	shalt  }
0x43: {  	_ =	shalt  }
0x44: {  	_ =	shalt  }
0x45: {  	_ =	shalt  }
0x46: {  	_ =	shalt  }
0x47: {  	_ =	shalt  }
0x48: {  	_ =	shalt  }
0x49: {  	_ =	shalt  }
0x4a: {  	_ =	shalt  }
0x4b: {  	_ =	shalt  }
0x4c: {  	_ =	shalt  }
0x4d: {  	_ =	shalt  }
0x4e: {  	_ =	shalt  }
0x4f: {  	_ =	shalt  }
0x50: {  	_ =	shalt  }
0x51: {  	_ =	shalt  }
0x52: {  	_ =	shalt  }
0x53: {  	_ =	shalt  }
0x54: {  	_ =	shalt  }
0x55: {  	_ =	shalt  }
0x56: {  	_ =	shalt  }
0x57: {  	_ =	shalt  }
0x58: {  	_ =	shalt  }
0x59: {  	_ =	shalt  }
0x5a: {  	_ =	shalt  }
0x5b: {  	_ =	shalt  }
0x5c: {  	_ =	shalt  }
0x5d: {  	_ =	shalt  }
0x5e: {  	_ =	shalt  }
0x5f: {  	_ =	shalt  }
0x60: {  	_ =	shalt  }
0x61: {  	_ =	shalt  }
0x62: {  	_ =	shalt  }
0x63: {  	_ =	shalt  }
0x64: {  	_ =	shalt  }
0x65: {  	_ =	shalt  }
0x66: {  	_ =	shalt  }
0x67: {  	_ =	shalt  }
0x68: {  	_ =	shalt  }
0x69: {  	_ =	shalt  }
0x6a: {  	_ =	shalt  }
0x6b: {  	_ =	shalt  }
0x6c: {  	_ =	shalt  }
0x6d: {  	_ =	shalt  }
0x6e: {  	_ =	shalt  }
0x6f: {  	_ =	shalt  }
0x70: {  	_ =	shalt  }
0x71: {  	_ =	shalt  }
0x72: {  	_ =	shalt  }
0x73: {  	_ =	shalt  }
0x74: {  	_ =	shalt  }
0x75: {  	_ =	shalt  }
0x76: {  	_ =	shalt  }
0x77: {  	_ =	shalt  }
0x78: {  	_ =	shalt  }
0x79: {  	_ =	shalt  }
0x7a: {  	_ =	shalt  }
0x7b: {  	_ =	shalt  }
0x7c: {  	_ =	shalt  }
0x7d: {  	_ =	shalt  }
0x7e: {  	_ =	shalt  }
0x7f: {  	_ =	shalt  }
0x80: {  	_ =	shalt  }
0x81: {  	_ =	shalt  }
0x82: {  	_ =	shalt  }
0x83: {  	_ =	shalt  }
0x84: {  	_ =	shalt  }
0x85: {  	_ =	shalt  }
0x86: {  	_ =	shalt  }
0x87: {  	_ =	shalt  }
.Lfunc_end0:
.L_simem_size_0:
called_computation.1_lowered:
.L_overlay_start_0:
0x88: {  	s2 =	sld [smem:$0x3FD9]  }
0x89: {  	s3 =	sld [smem:$0x3FFE];
	_ =	sdelay $0x1  }
0x8a: {  	s1 =	srdreg.scid  }
0x8b: {  	s0 =	sand.u32 $0x1, s1  }
0x8c: {  	s17 =	sshll.u32 s0, $0xA;
	s2 =	sadd.s32 s3, s2  }
0x8d: {  	s2 =	sadd.s32 s2, s17  }
0x8e: {  	[smem:$0x3FC2] =	sst s2  }
0x8f: {  	_ = 	snop  }
0x90: {  	s2 =	sld [smem:$0x3FD0];
	(tm) =	ssettm $0x1  }
0x91: {  	s18 =	sld [smem:$0x3FFB];
	_ =	sdelay $0x3  }
0x92: {  	_ =	strace s18  }
0x93: {  	s3 =	sld [smem:$0x3FFC];
	_ =	sdelay $0x3  }
0x94: {  	_ =	strace s3  }
0x95: {  	s3 =	sld [smem:$0x3FFD];
	_ =	sdelay $0x3  }
0x96: {  	_ =	strace s3  }
0x97: {  	_ =	strace $0x8FFFFFFF  }
0x98: {  	s19 =	sld [smem:$0x3FDB];
	_ =	sdelay $0x1  }
0x99: {  	s4 =	simm.s32 $_scs_section_size  }
0x9a: {  	s5 =	simm.s32 $_size__tile_overlayer_lowered;
	s6 =	simm.s32 $_tile_overlayer_lowered  }
0x9b: {  	s22 =	simm.s32 $0x1BFF;
	s21 =	sshll.u32 s6, $0x1;
	s3 =	sadd.s32 s4, s19  }
0x9c: {  	s7 =	simm.s32 $0x0;
	s20 =	sshll.u32 s5, $0x1;
	s5 =	sadd.s32 s21, s3  }
0x9d: {  	[timem:s7], [sflag:s22] =	dma.local [hbm:s5], s20  }
0x9e: {  	_ =	swait.ge [sflag:s22], s20  }
0x9f: {  	s4 =	ssub.s32 $0x0, s20;
	[sflag:s22] =	ssyncset.done $0x0  }
0xa0: {  	[sflag:s22] =	ssyncadd.s32 s4;
	_ =	sdelay $0x1  }
0xa1: {  	s23 =	simm.s32 $0x1B8B  }
0xa2: {  	_ =	swait.ge [sflag:s23], $0x1  }
0xa3: {  	[sflag:s23] =	ssyncset.done $0x0  }
0xa4: {  	s25 =	simm.s32 $0x1B8E;
	s24 =	sld [smem:$0x3FFE];
	[sflag:s23] =	ssyncadd.s32 $0xFFFFFFFF  }
0xa5: {  	s26 =	simm.s32 $execute0_lowered;
	[smem:$0x3FD2] =	sst s25  }
0xa6: {  	s5 =	sshll.u32 s26, $0x1;
	_ =	strace $0x80000049;
	[dreg:$0x1] =	wrdreg $0xFFFFFFFF  }
0xa7: {  	s28 =	simm.s32 $_size_execute0_lowered;
	s3 =	sadd.s32 s3, s5;
	[dreg:$0x0] =	wrdreg $0x0  }
0xa8: {  	s5 =	sshll.u32 s28, $0x1;
	[dreg:$0x2] =	wrdreg s3  }
0xa9: {  	[dreg:$0x3] =	wrdreg s5  }
0xaa: {  	[dreg:$0x4] =	wrdreg $0xC0  }
0xab: {  	_ =	task [dreg:s7], $0x5FFFF  }
0xac: {  	[dreg:$0x1] =	wrdreg $0xFFFFFFFF  }
0xad: {  	[dreg:$0x0] =	wrdreg $0x60  }
0xae: {  	[dreg:$0x2] =	wrdreg s24  }
0xaf: {  	[dreg:$0x3] =	wrdreg s2  }
0xb0: {  	[dreg:$0x4] =	wrdreg $0xF0200  }
0xb1: {  	[dreg:$0x5] =	wrdreg $0x79A00  }
0xb2: {  	[dreg:$0x6] =	wrdreg $0x9  }
0xb3: {  	_ =	task.clear_ibuf [dreg:s7], $0x7FFFF;
	_ =	strace $0x90000049  }
0xb4: {  	s29 =	simm.s32 $0x9;
	_ =	strace $0x8000004B  }
0xb5: {  	_ =	swait.ge [sflag:s29], $0x1  }
0xb6: {  	[sflag:s29] =	ssyncadd.s32 $0xFFFFFFFF  }
0xb7: {  	_ =	strace $0x9000004B  }
0xb8: {  	_ =	sfence  }
0xb9: {  	s30 =	sld [smem:$0x0];
	_ =	sdelay $0x2  }
0xba: {  	s31 =	sshll.u32 s1, $0xD;
	s1 =	sshrl.u32 s1, $0x2  }
0xbb: {  	s3 =	sand.u32 $0x4000, s31;
	s1 =	sadd.s32 s1, s30  }
0xbc: {  	s0 =	sor.u32 s3, s0;
	s1 =	sshll.u32 s1, $0x11  }
0xbd: {  	s0 =	sor.u32 s1, s0  }
0xbe: {  	s0 =	sadd.s32 $0x8F2B, s0  }
0xbf: {  	[sflag:s0] =	ssyncadd.remote.s32 $0x1  }
0xc0: {  	_ =	sfence.sel $0xFFFF  }
0xc1: {  	[dreg:$0x0] =	wrdreg $0xFFFFFFFF;
	(pc) =	sbr.abs _section_cstart, $3  }
0xc2: {  	[dreg:$0x1] =	wrdreg $0xFFFFFFFF  }
0xc3: {  	_ =	task.clear_ibuf [dreg:s7], $0x2FFFF;
	_ =	strace $0x9FFFFFFF  }
0xc4: {  	(tm) =	ssettm $0x7FFFFFFF  }
0xc5: {  	_ =	shalt  }
tec
execute0_lowered:
.L_overlay_start_1:
0x0: {  	(tag) =	ssettag $0x1  }
0x1: {  	s6 =	rddreg [dreg:$0x0]  }
0x2: {  	s8 =	rddreg [dreg:$0x1]  }
0x3: {  	s1 =	rddreg [dreg:$0x2]  }
0x4: {  	s0 =	srdreg.scid;
	s3 =	rddreg [dreg:$0x3]  }
0x5: {  	s2 =	stileid.u32;
	s4 =	simm.s32 $0x0;
	s17 =	simm.s32 $0x64A0  }
0x6: {  	s18 =	simm.s32 $0x1;
	s19 =	simm.s32 $0x2;
	s20 =	simm.s32 $0x3  }
0x7: {  	s21 =	simm.s32 $0x4;
	s22 =	simm.s32 $0x4E50;
	s23 =	simm.s32 $0x4EC0  }
0x8: {  	s26 =	simm.s32 $0x4F30;
	s5 =	sand.u32 $0x1, s0;
	s0 =	rddreg [dreg:$0x4]  }
0x9: {  	s28 =	simm.s32 $0x0;
	s9 =	smul.u32 $0x7680, s2;
	[smem:$0x7FF] =	sst s4  }
0xa: {  	s31 =	sshll.u32 s2, $0x6;
	s7 =	sshll.u32 s5, $0x4;
	_ =	strace $0x8000004A  }
0xb: {  	s29 =	smul.u32 $0xED00, s5;
	s13 =	ssub.s32 $0x2, s5;
	s5 =	sadd.s32 $0xFA00, s6  }
0xc: {  	s7 =	sor.u32 s2, s7;
	s24 =	sshrl.u32 s9, $0x3;
	s30 =	sshrl.u32 s13, $0x1  }
0xd: {  	s15 =	sadd.s32 s9, s1;
	s16 =	sadd.s32 s9, s3;
	s10 =	smul.u32 $0x4FA, s7  }
0xe: {  	s11 =	sadd.s32 s24, s6;
	s14 =	sadd.s32 s29, s6;
	s13 =	ssub.s32 s13, s30  }
0xf: {  	s7 =	sadd.s32 $0xC00, s11;
	s25 =	sadd.s32 $0x10A00, s14;
	s11 =	sshrl.u32 s15, $0x3  }
0x10: {  	s14 =	simm.s32 $0x27D0;
	s15 =	simm.s32 $0x70;
	s12 =	sadd.s32 s10, s6  }
0x11: {  	s6 =	sor.u32 $0x1C05, s31;
	s8 =	sadd.s32 s8, s10;
	s10 =	smax.u32 s13, $0x1  }
0x12: {  	s13 =	sshrl.u32 s16, $0x3;
	s16 =	simm.s32 $0x4FA0;
	s24 =	sadd.s32 s24, s25  }
0x13: {  	s25 =	simm.s32 $0x2760;
	s9 =	sadd.s32 $0x78E00, s12;
	s12 =	simm.s32 $0x5  }
.LBB2_1:
0x14: {  	[spmem:s11], [sflag:s6] =	dma.local [hbm:s5], $0xED0  }
0x15: {  	_ =	swait.ge [sflag:s12], $0xED0  }
0x16: {  	[sflag:s12] =	ssyncset.done $0x0  }
0x17: {  	[sflag:s12] =	ssyncadd.s32 $0xFFFFF130  }
0x18: {  	[spmem:s13], [sflag:s6] =	dma.local [hbm:s7], $0xED0  }
0x19: {  	_ =	swait.ge [sflag:s12], $0xED0  }
0x1a: {  	[sflag:s12] =	ssyncset.done $0x0  }
0x1b: {  	[sflag:s12] =	ssyncadd.s32 $0xFFFFF130  }
0x1c: {  	[tilespmem:s4], [sflag:$0x5] =	stream.linear.gather [hbm4b:s8+s4], $0x27D0, $0x38;
	[tilespmem:$0x166A0] =	vst v63  }
0x1d: {  	_ =	swait.ge [sflag:s12], $0x27D0  }
0x1e: {  	[sflag:s12] =	ssyncset.done $0x0  }
0x1f: {  	[sflag:s12] =	ssyncadd.s32 $0xFFFFD830  }
0x20: {  	[tilespmem:s14], [sflag:$0x5] =	stream.linear.gather [hbm4b:s9+s4], $0x27D0, $0x38;
	[tilespmem:$0x166A0] =	vst v63  }
0x21: {  	_ =	swait.ge [sflag:s12], $0x27D0  }
0x22: {  	[sflag:s12] =	ssyncset.done $0x0  }
0x23: {  	[sflag:s12] =	ssyncadd.s32 $0xFFFFD830  }
0x24: {  	[bflag:$0x0] =	sbarrier.arrive $0xFFFF  }
0x25: {  	[tilespmem:s16], [sflag:$0x1] =	stream.indirect.gather [spmem:s3], $0x30, s4, s15, $0xb8;
	[tilespmem:$0x166A0] =	vst v63  }
0x26: {  	_ = 	snop  }
0x27: {  	[tilespmem:s17], [sflag:$0x2] =	stream.indirect.gather [spmem:s3], $0x30, s15, s15, $0xb8;
	[tilespmem:$0x166A0] =	vst v63  }
0x28: {  	_ =	swait.ge [sflag:s18], $0x1500  }
0x29: {  	[sflag:s18] =	ssyncset.done $0x0  }
0x2a: {  	s29 =	simm.s32 $0x27D0;
	[sflag:s18] =	ssyncadd.s32 $0xFFFFEB00  }
0x2b: {  	[spmem:s1] =	stream.indirect.scatter.add.f32 [tilespmem:s16], [sflag:$0x3], $0x30, s29, s15, $0xb8;
	[tilespmem:$0x166A0] =	vst v63  }
0x2c: {  	_ =	swait.ge [sflag:s19], $0x1500  }
0x2d: {  	[sflag:s19] =	ssyncset.done $0x0  }
0x2e: {  	s29 =	simm.s32 $0x2840;
	[sflag:s19] =	ssyncadd.s32 $0xFFFFEB00  }
0x2f: {  	[spmem:s1] =	stream.indirect.scatter.add.f32 [tilespmem:s17], [sflag:$0x4], $0x30, s29, s15, $0xb8;
	[tilespmem:$0x166A0] =	vst v63  }
0x30: {  	_ =	swait.ge [sflag:s20], $0x1500  }
0x31: {  	[sflag:s20] =	ssyncset.done $0x0  }
0x32: {  	s29 =	simm.s32 $0xE0;
	[sflag:s20] =	ssyncadd.s32 $0xFFFFEB00  }
0x33: {  	[tilespmem:s16], [sflag:$0x1] =	stream.indirect.gather [spmem:s3], $0x30, s29, s15, $0xb8;
	[tilespmem:$0x166A0] =	vst v63  }
0x34: {  	_ =	swait.ge [sflag:s21], $0x1500  }
0x35: {  	[sflag:s21] =	ssyncset.done $0x0  }
0x36: {  	s30 =	simm.s32 $0x150;
	s29 =	simm.s32 $0x380;
	[sflag:s21] =	ssyncadd.s32 $0xFFFFEB00  }
.LBB2_2:
0x37: {  	[tilespmem:s17], [sflag:$0x2] =	stream.indirect.gather [spmem:s3], $0x30, s30, s15, $0xb8;
	[tilespmem:$0x166A0] =	vst v63  }
0x38: {  	s30 =	smov.u32 s29  }
0x39: {  	p0 =	sne.s32 s29, $0x9680;
	s29 =	sadd.s32 $0x380, s29;
	_ =	swait.ge [sflag:s18], $0x1500  }
0x3a: {  	s30 =	sshra.s32 s30, $0x2;
	[sflag:s18] =	ssyncset.done $0x0  }
0x3b: {  	s31 =	sadd.s32 $0x27D0, s30;
	[sflag:s18] =	ssyncadd.s32 $0xFFFFEB00  }
0x3c: {  	[spmem:s1] =	stream.indirect.scatter.add.f32 [tilespmem:s16], [sflag:$0x3], $0x30, s31, s15, $0xb8;
	[tilespmem:$0x166A0] =	vst v63  }
0x3d: {  	_ =	swait.ge [sflag:s19], $0x1500  }
0x3e: {  	[sflag:s19] =	ssyncset.done $0x0  }
0x3f: {  	s31 =	sadd.s32 $0x2840, s30;
	[sflag:s19] =	ssyncadd.s32 $0xFFFFEB00  }
0x40: {  	[spmem:s1] =	stream.indirect.scatter.add.f32 [tilespmem:s17], [sflag:$0x4], $0x30, s31, s15, $0xb8;
	[tilespmem:$0x166A0] =	vst v63  }
0x41: {  	_ =	swait.ge [sflag:s20], $0x1500  }
0x42: {  	[sflag:s20] =	ssyncset.done $0x0  }
.Ltmp0:
0x43: {  	s31 =	sadd.s32 $0xE0, s30;
	[sflag:s20] =	ssyncadd.s32 $0xFFFFEB00;
	(pc) =	sbr.rel @p0 .LBB2_2-.Ltmp0, $4  }
0x44: {  	[tilespmem:s16], [sflag:$0x1] =	stream.indirect.gather [spmem:s3], $0x30, s31, s15, $0xb8;
	[tilespmem:$0x166A0] =	vst v63  }
0x45: {  	_ =	swait.ge [sflag:s21], $0x1500  }
0x46: {  	[sflag:s21] =	ssyncset.done $0x0  }
0x47: {  	s30 =	sadd.s32 $0x150, s30;
	[sflag:s21] =	ssyncadd.s32 $0xFFFFEB00  }
0x48: {  	[tilespmem:s17], [sflag:$0x2] =	stream.indirect.gather [spmem:s3], $0x30, s30, s15, $0xb8;
	[tilespmem:$0x166A0] =	vst v63  }
0x49: {  	_ =	swait.ge [sflag:s18], $0x1500  }
0x4a: {  	[sflag:s18] =	ssyncset.done $0x0  }
0x4b: {  	[sflag:s18] =	ssyncadd.s32 $0xFFFFEB00  }
0x4c: {  	[spmem:s1] =	stream.indirect.scatter.add.f32 [tilespmem:s16], [sflag:$0x3], $0x30, s22, s15, $0xb8;
	[tilespmem:$0x166A0] =	vst v63  }
0x4d: {  	_ =	swait.ge [sflag:s19], $0x1500  }
0x4e: {  	[sflag:s19] =	ssyncset.done $0x0  }
0x4f: {  	[sflag:s19] =	ssyncadd.s32 $0xFFFFEB00  }
0x50: {  	[spmem:s1] =	stream.indirect.scatter.add.f32 [tilespmem:s17], [sflag:$0x4], $0x30, s23, s15, $0xb8;
	[tilespmem:$0x166A0] =	vst v63  }
0x51: {  	_ =	swait.ge [sflag:s20], $0x1500  }
0x52: {  	[sflag:s20] =	ssyncset.done $0x0  }
0x53: {  	[sflag:s20] =	ssyncadd.s32 $0xFFFFEB00  }
0x54: {  	[tilespmem:s16], [sflag:$0x1] =	stream.indirect.gather [spmem:s3], $0x30, s25, s15, $0xb8;
	[tilespmem:$0x166A0] =	vst v63  }
0x55: {  	_ =	swait.ge [sflag:s21], $0x1500  }
0x56: {  	[sflag:s21] =	ssyncset.done $0x0  }
0x57: {  	[sflag:s21] =	ssyncadd.s32 $0xFFFFEB00  }
0x58: {  	_ =	swait.ge [sflag:s18], $0x1500  }
0x59: {  	[sflag:s18] =	ssyncset.done $0x0  }
0x5a: {  	[sflag:s18] =	ssyncadd.s32 $0xFFFFEB00  }
0x5b: {  	[spmem:s1] =	stream.indirect.scatter.add.f32 [tilespmem:s16], [sflag:$0x5], $0x30, s26, s15, $0xb8;
	[tilespmem:$0x166A0] =	vst v63  }
0x5c: {  	_ =	swait.ge [sflag:s12], $0x1500  }
0x5d: {  	s28 =	sadd.s32 $0x1, s28;
	[sflag:s12] =	ssyncset.done $0x0  }
0x5e: {  	p0 =	sne.s32 s28, s10;
	[sflag:s12] =	ssyncadd.s32 $0xFFFFEB00  }
.Ltmp1:
0x5f: {  	[bflag:$0x0] =	sbarrier.arrive $0xFFFF;
	(pc) =	sbr.rel @p0 .LBB2_1-.Ltmp1, $4  }
0x60: {  	[hbm:s24], [sflag:s6] =	dma.local [spmem:s11], $0xED0  }
0x61: {  	_ =	swait.ge [sflag:s12], $0xED0  }
0x62: {  	[sflag:s12] =	ssyncset.done $0x0  }
0x63: {  	[sflag:s12] =	ssyncadd.s32 $0xFFFFF130  }
0x64: {  	_ =	sfence.sel $0x180000  }
0x65: {  	[bflag:$0x0] =	sbarrier.arrive $0xFFFF  }
0x66: {  	p0 =	sne.s32 s2, $0x0;
	_ =	strace $0x9000004A  }
0x67: {  	s0 =	sadd.s32 @!p0 $0x100000, s0;
	[bflag:$0x2] =	sbarrier.arrive $0xFFFF  }
0x68: {  	[sflag:s0] =	ssyncadd.tile.s32 @!p0 $0x1;
	_ =	shalt  }
.Lfunc_end2:
_tile_overlayer_lowered:
.L_overlay_start_2:
0x69: {  	(tag) =	ssettag $0x2  }
0x6a: {  	s0 =	rddreg [dreg:$0x0];
	s2 =	stileid.u32  }
0x6b: {  	s1 =	rddreg [dreg:$0x1];
	p0 =	sne.s32 s2, $0x0  }
0x6c: {  	s3 =	rddreg [dreg:$0x2];
	[bflag:$0x3] =	sbarrier.arrive $0xFFFF;
	s2 =	simm.s32 @!p0 $0x1C05  }
0x6d: {  	[timem:s3], [sflag:s2] =	dma.local @!p0 [hbm:s0], s1  }
0x6e: {  	s0 =	simm.s32 @!p0 $0x5  }
0x6f: {  	_ =	swait.ge @!p0 [sflag:s0], s1  }
0x70: {  	s1 =	ssub.s32 @!p0 $0x0, s1;
	[sflag:s0] =	ssyncset.done @!p0 $0x0  }
0x71: {  	[sflag:s0] =	ssyncadd.s32 @!p0 s1  }
0x72: {  	[bflag:$0x3] =	sbarrier.arrive $0xFFFF  }
0x73: {  	_ =	shalt  }

</sc_bundles>
